<compile_context>
chip_gen: v7x
topology: tpu7x:2x2x1
jax: 0.10.2.dev20260603
libtpu: 0.0.44.dev20260713+nightly
codegen_flags: <defaults>
</compile_context>

<pallas_src>
import functools

import jax
import jax.numpy as jnp
from jax import lax
from jax.experimental import pallas as pl
from jax.experimental.pallas import tpu as pltpu
from jax.experimental.pallas import tpu_sc as plsc

N_ROWS = 1_000_000
N_CLS = 64


TC_BLOCK = 8000
TC_GRID = N_ROWS // TC_BLOCK


TC_CHUNK = 2000


def _argmax_body(x_ref, o_ref):
    ia = lax.broadcasted_iota(jnp.int32, (N_CLS, N_CLS), 0)
    ib = lax.broadcasted_iota(jnp.int32, (N_CLS, N_CLS), 1)
    u = jnp.where(ia < ib, jnp.float32(1.0), jnp.float32(0.0))
    acc = jnp.zeros((1, N_CLS), jnp.float32)
    for ch in range(TC_BLOCK // TC_CHUNK):
        x = x_ref[pl.ds(ch * TC_CHUNK, TC_CHUNK), :]
        m = jnp.max(x, axis=1, keepdims=True)
        eqf = jnp.where(x == m, jnp.float32(1.0), jnp.float32(0.0))
        ps = jax.lax.dot_general(eqf, u, (((1,), (0,)), ((), ())),
                                 preferred_element_type=jnp.float32)
        oh = jnp.where(ps == 0.0, eqf, jnp.float32(0.0))
        acc = acc + jnp.sum(oh, axis=0, keepdims=True)
    o_ref[...] = acc.reshape(1, 1, N_CLS)


def _tc_counts(x):
    return pl.pallas_call(
        _argmax_body,
        grid=(TC_GRID,),
        in_specs=[pl.BlockSpec((TC_BLOCK, N_CLS), lambda i: (i, 0))],
        out_specs=pl.BlockSpec((1, 1, N_CLS), lambda i: (i, 0, 0)),
        out_shape=jax.ShapeDtypeStruct((TC_GRID, 1, N_CLS), jnp.float32),
        compiler_params=pltpu.CompilerParams(
            dimension_semantics=("arbitrary",)),
    )(x)



SC_CH = 400
SC_GRP = SC_CH // 16
SC_CHW = SC_CH * N_CLS
SC_NCHUNKS = N_ROWS // SC_CH
SC_NTILES = 32


def _argcount_body(x_hbm, out_hbm, cb0, cb1, hist, outv, sem0, sem1):
    c = lax.axis_index("c")
    s = lax.axis_index("s")
    w = s * 2 + c

    lane = lax.broadcasted_iota(jnp.int32, (16,), 0)
    z16 = jnp.zeros((16,), jnp.int32)
    ones = jnp.ones((16,), jnp.int32)
    laneoff = lane * N_CLS
    lane64 = lane * N_CLS
    neginf = jnp.full((16,), -jnp.inf, jnp.float32)

    for i in range(N_CLS):
        hist[pl.ds(i * 16, 16)] = z16

    n_w = jnp.where(w < SC_NCHUNKS % SC_NTILES,
                    SC_NCHUNKS // SC_NTILES + 1, SC_NCHUNKS // SC_NTILES)

    def issue(k, buf, sem):
        base = (w + k * SC_NTILES) * SC_CHW
        pltpu.async_copy(x_hbm.at[pl.ds(base, SC_CHW)], buf, sem)

    def process(buf):
        def group(g, pb):
            m = neginf
            best = z16
            for j in range(N_CLS):
                v = plsc.load_gather(buf, [pb + j])
                gt = v > m
                m = jnp.maximum(m, v)
                best = jnp.where(gt, jnp.int32(j), best)
            plsc.addupdate_scatter(hist, [laneoff + best], ones)
            return pb + 16 * N_CLS

        lax.fori_loop(0, SC_GRP, group, lane64, unroll=4)

    issue(0, cb0, sem0)
    issue(1, cb1, sem1)

    def pair(k2, _):
        k = k2 * 2

        @pl.when(k < n_w)
        def _():
            pltpu.make_async_copy(x_hbm.at[pl.ds(0, SC_CHW)], cb0, sem0).wait()
            process(cb0)

            @pl.when(k + 2 < n_w)
            def _():
                issue(k + 2, cb0, sem0)

        @pl.when(k + 1 < n_w)
        def _():
            pltpu.make_async_copy(x_hbm.at[pl.ds(0, SC_CHW)], cb1, sem1).wait()
            process(cb1)

            @pl.when(k + 3 < n_w)
            def _():
                issue(k + 3, cb1, sem1)

        return 0

    lax.fori_loop(0, (SC_NCHUNKS // SC_NTILES + 2) // 2, pair, 0)

    for cg in range(4):
        acc = z16
        for r in range(16):
            acc = acc + hist[pl.ds(r * N_CLS + cg * 16, 16)]
        outv[pl.ds(cg * 16, 16)] = acc.astype(jnp.float32)
    pltpu.sync_copy(outv, out_hbm.at[pl.ds(w * N_CLS, N_CLS)])


def _sc_argcount(xflat):
    mesh = plsc.VectorSubcoreMesh(core_axis_name="c", subcore_axis_name="s")
    f = functools.partial(
        pl.kernel,
        mesh=mesh,
        compiler_params=pltpu.CompilerParams(needs_layout_passes=False),
        out_type=jax.ShapeDtypeStruct((SC_NTILES * N_CLS,), jnp.float32),
        scratch_types=[
            pltpu.VMEM((SC_CHW,), jnp.float32),
            pltpu.VMEM((SC_CHW,), jnp.float32),
            pltpu.VMEM((16 * N_CLS,), jnp.int32),
            pltpu.VMEM((N_CLS,), jnp.float32),
            pltpu.SemaphoreType.DMA,
            pltpu.SemaphoreType.DMA,
        ],
    )(_argcount_body)
    return f(xflat)



NSUB = 16
NPART = TC_GRID * N_CLS
NPAD = 8192


def _reduce_body(p_hbm, out_hbm, pbuf, bins, iota_ref, outv, shared):
    c = lax.axis_index("c")
    s = lax.axis_index("s")
    active = c == 0

    lane = lax.broadcasted_iota(jnp.int32, (16,), 0)
    zf = jnp.zeros((16,), jnp.float32)

    for cg in range(4):
        iota_ref[pl.ds(cg * 16, 16)] = lane + cg * 16
    for cg in range(4):
        bins[pl.ds(cg * 16, 16)] = zf

    @pl.when(jnp.logical_and(active, s == 0))
    def _():
        pltpu.sync_copy(bins, shared)

    plsc.subcore_barrier()

    @pl.when(active)
    def _():
        pltpu.sync_copy(p_hbm, pbuf.at[pl.ds(0, NPART)])
        for i in range((NPAD - NPART) // 16):
            pbuf[pl.ds(NPART + i * 16, 16)] = zf
        for cg in range(4):
            acc = zf
            for k in range(NPAD // N_CLS // 16):
                acc = acc + pbuf[pl.ds((s + 16 * k) * N_CLS + cg * 16, 16)]
            bins[pl.ds(cg * 16, 16)] = acc
        pltpu.sync_copy(bins, shared.at[iota_ref], add=True)

    plsc.subcore_barrier()

    @pl.when(jnp.logical_and(active, s == 0))
    def _():
        pltpu.sync_copy(shared, bins)
        inv = jnp.float32(1.0 / N_ROWS)
        for cg in range(4):
            outv[pl.ds(cg * 16, 16)] = bins[pl.ds(cg * 16, 16)] * inv
        pltpu.sync_copy(outv, out_hbm)


def _sc_reduce(partials):
    mesh = plsc.VectorSubcoreMesh(core_axis_name="c", subcore_axis_name="s")
    f = functools.partial(
        pl.kernel,
        mesh=mesh,
        compiler_params=pltpu.CompilerParams(needs_layout_passes=False),
        out_type=jax.ShapeDtypeStruct((N_CLS,), jnp.float32),
        scratch_types=[
            pltpu.VMEM((NPAD,), jnp.float32),
            pltpu.VMEM((N_CLS,), jnp.float32),
            pltpu.VMEM((N_CLS,), jnp.int32),
            pltpu.VMEM((N_CLS,), jnp.float32),
            pltpu.VMEM_SHARED((N_CLS,), jnp.float32),
        ],
    )(_reduce_body)
    return f(partials)


def kernel(input):
    partials = _tc_counts(input).reshape(NPART)
    return _sc_reduce(partials)

# --- scband reference (transcript-rebuilt; emitter-appended) ---
"""Pipeline reference for scband-basic-count-24893630448205 (READ-ONLY COPY).

The authoritative reference and input builder live on the scoring server;
editing this copy changes nothing except your own understanding.
"""

import jax, jax.numpy as jnp
import numpy as np

N_CLASSES = 64

def setup_inputs(seed: int = 0) -> dict:
    key = jax.random.key(seed)
    x = jax.random.normal(key, (1000000, N_CLASSES), dtype=jnp.float32)
    return {"input": x}

def reference(input):
    n_examples = input.shape[0]
    mx = jnp.argmax(input, axis=1)
    counts = jnp.bincount(mx, minlength=N_CLASSES, length=N_CLASSES)
    frequs = counts.astype(jnp.float32) / n_examples
    return frequs

if __name__ == "__main__":
    import jax
    _d = setup_inputs()
    print(jax.jit(kernel)(*tuple(_d.values())))

</pallas_src>

<mosaic_0001>
#map = affine_map<(d0, d1) -> (0)>
module attributes {stable_mosaic.version = 14 : i64} {
  func.func @_reduce_body(%arg0: i32, %arg1: i32, %arg2: memref<8000xf32, #tpu.memory_space<hbm>>, %arg3: memref<64xf32, #tpu.memory_space<hbm>>, %arg4: memref<8192xf32, #tpu.memory_space<vmem>>, %arg5: memref<64xf32, #tpu.memory_space<vmem>>, %arg6: memref<64xi32, #tpu.memory_space<vmem>>, %arg7: memref<64xf32, #tpu.memory_space<vmem>>, %arg8: memref<64xf32, #tpu.memory_space<vmem_shared>>) attributes {dimension_semantics = [#tpu.dimension_semantics<core_parallel>, #tpu.dimension_semantics<subcore_parallel>], iteration_bounds = array<i64: 2, 16>, scalar_prefetch = 0 : i64, scratch_operands = 5 : i64, tpu.core_type = #tpu.core_type<sc_vector_subcore>, window_params = [{transform_indices = #map}, {transform_indices = #map}]} {
    %eq3A = arith.constant 0 : i32
    %eq3A_0 = arith.cmpi eq, %arg0, %eq3A : i32
    %iota3A = tpu.iota {dimensions = array<i32: 0>} : vector<16xi32>
    %broadcast_in_dim3A = arith.constant 0.000000e+00 : f32
    %broadcast_in_dim3A_1 = vector.broadcast %broadcast_in_dim3A : f32 to vector<16xf32>
    %add3A = arith.constant 0 : i32
    %add3A_2 = vector.broadcast %add3A : i32 to vector<16xi32>
    %add3A_3 = arith.addi %iota3A, %add3A_2 : vector<16xi32>
    %swap3A = arith.constant 0 : index
    %swap3A_4 = tpu.vector_load %arg6[%swap3A] {strides = array<i32>} : memref<64xi32, #tpu.memory_space<vmem>>, vector<16xi32>,
    tpu.vector_store %arg6[%swap3A], %add3A_3 {strides = array<i32>} : memref<64xi32, #tpu.memory_space<vmem>>, vector<16xi32>,
    %add3A_5 = arith.constant 16 : i32
    %add3A_6 = vector.broadcast %add3A_5 : i32 to vector<16xi32>
    %add3A_7 = arith.addi %iota3A, %add3A_6 : vector<16xi32>
    %swap3A_8 = arith.constant 16 : index
    %swap3A_9 = tpu.vector_load %arg6[%swap3A_8] {strides = array<i32>} : memref<64xi32, #tpu.memory_space<vmem>>, vector<16xi32>,
    tpu.vector_store %arg6[%swap3A_8], %add3A_7 {strides = array<i32>} : memref<64xi32, #tpu.memory_space<vmem>>, vector<16xi32>,
    %add3A_10 = arith.constant 32 : i32
    %add3A_11 = vector.broadcast %add3A_10 : i32 to vector<16xi32>
    %add3A_12 = arith.addi %iota3A, %add3A_11 : vector<16xi32>
    %swap3A_13 = arith.constant 32 : index
    %swap3A_14 = tpu.vector_load %arg6[%swap3A_13] {strides = array<i32>} : memref<64xi32, #tpu.memory_space<vmem>>, vector<16xi32>,
    tpu.vector_store %arg6[%swap3A_13], %add3A_12 {strides = array<i32>} : memref<64xi32, #tpu.memory_space<vmem>>, vector<16xi32>,
    %add3A_15 = arith.constant 48 : i32
    %add3A_16 = vector.broadcast %add3A_15 : i32 to vector<16xi32>
    %add3A_17 = arith.addi %iota3A, %add3A_16 : vector<16xi32>
    %swap3A_18 = arith.constant 48 : index
    %swap3A_19 = tpu.vector_load %arg6[%swap3A_18] {strides = array<i32>} : memref<64xi32, #tpu.memory_space<vmem>>, vector<16xi32>,
    tpu.vector_store %arg6[%swap3A_18], %add3A_17 {strides = array<i32>} : memref<64xi32, #tpu.memory_space<vmem>>, vector<16xi32>,
    %swap3A_20 = arith.constant 0 : index
    %swap3A_21 = tpu.vector_load %arg5[%swap3A_20] {strides = array<i32>} : memref<64xf32, #tpu.memory_space<vmem>>, vector<16xf32>,
    tpu.vector_store %arg5[%swap3A_20], %broadcast_in_dim3A_1 {strides = array<i32>} : memref<64xf32, #tpu.memory_space<vmem>>, vector<16xf32>,
    %swap3A_22 = arith.constant 16 : index
    %swap3A_23 = tpu.vector_load %arg5[%swap3A_22] {strides = array<i32>} : memref<64xf32, #tpu.memory_space<vmem>>, vector<16xf32>,
    tpu.vector_store %arg5[%swap3A_22], %broadcast_in_dim3A_1 {strides = array<i32>} : memref<64xf32, #tpu.memory_space<vmem>>, vector<16xf32>,
    %swap3A_24 = arith.constant 32 : index
    %swap3A_25 = tpu.vector_load %arg5[%swap3A_24] {strides = array<i32>} : memref<64xf32, #tpu.memory_space<vmem>>, vector<16xf32>,
    tpu.vector_store %arg5[%swap3A_24], %broadcast_in_dim3A_1 {strides = array<i32>} : memref<64xf32, #tpu.memory_space<vmem>>, vector<16xf32>,
    %swap3A_26 = arith.constant 48 : index
    %swap3A_27 = tpu.vector_load %arg5[%swap3A_26] {strides = array<i32>} : memref<64xf32, #tpu.memory_space<vmem>>, vector<16xf32>,
    tpu.vector_store %arg5[%swap3A_26], %broadcast_in_dim3A_1 {strides = array<i32>} : memref<64xf32, #tpu.memory_space<vmem>>, vector<16xf32>,
    %eq3A_28 = arith.constant 0 : i32
    %eq3A_29 = arith.cmpi eq, %arg1, %eq3A_28 : i32
    %and3A = arith.andi %eq3A_0, %eq3A_29 : i1
    %convert_element_type3A = arith.extui %and3A : i1 to i32
    %cond3A = arith.constant 0 : i32
    %cond3A_30 = arith.cmpi ne, %convert_element_type3A, %cond3A : i32
    scf.if %cond3A_30 {
      "tpu.region"() ({
        %run_scoped3A = tpu.sem_alloc : memref<!tpu.dma_semaphore, #tpu.memory_space<semaphore_mem>>
        tpu.enqueue_dma source(%arg5 : memref<64xf32, #tpu.memory_space<vmem>>) target(%arg8 : memref<64xf32, #tpu.memory_space<vmem_shared>>) target_semaphore(%run_scoped3A : memref<!tpu.dma_semaphore, #tpu.memory_space<semaphore_mem>>)
        tpu.wait_dma2 semaphore(%run_scoped3A : memref<!tpu.dma_semaphore, #tpu.memory_space<semaphore_mem>>) src(%arg5 : memref<64xf32, #tpu.memory_space<vmem>>) dst(%arg8 : memref<64xf32, #tpu.memory_space<vmem_shared>>)
        tpu.yield
      }) : () -> ()
    } else {
    }
    %barrier3A = arith.constant 0 : index
    tpu.barrier barrier_id(%barrier3A)
    %convert_element_type3A_31 = arith.extui %eq3A_0 : i1 to i32
    %cond3A_32 = arith.constant 0 : i32
    %cond3A_33 = arith.cmpi ne, %convert_element_type3A_31, %cond3A_32 : i32
    scf.if %cond3A_33 {
      "tpu.region"() ({
        %run_scoped3A = tpu.sem_alloc : memref<!tpu.dma_semaphore, #tpu.memory_space<semaphore_mem>>
        %dma_start3A = arith.constant 0 : i32
        %dma_start3A_359 = tpu.memref_slice %arg4[%dma_start3A] : memref<8192xf32, #tpu.memory_space<vmem>> -> memref<8000xf32, #tpu.memory_space<vmem>>
        %dma_start3A_360 = arith.constant 0 : i32
        %dma_start3A_361 = tpu.memref_slice %arg4[%dma_start3A_360] : memref<8192xf32, #tpu.memory_space<vmem>> -> memref<8000xf32, #tpu.memory_space<vmem>>
        tpu.enqueue_dma source(%arg2 : memref<8000xf32, #tpu.memory_space<hbm>>) target(%dma_start3A_361 : memref<8000xf32, #tpu.memory_space<vmem>>) target_semaphore(%run_scoped3A : memref<!tpu.dma_semaphore, #tpu.memory_space<semaphore_mem>>)
        %dma_wait3A = arith.constant 0 : i32
        %dma_wait3A_362 = tpu.memref_slice %arg4[%dma_wait3A] : memref<8192xf32, #tpu.memory_space<vmem>> -> memref<8000xf32, #tpu.memory_space<vmem>>
        %dma_wait3A_363 = arith.constant 0 : i32
        %dma_wait3A_364 = tpu.memref_slice %arg4[%dma_wait3A_363] : memref<8192xf32, #tpu.memory_space<vmem>> -> memref<8000xf32, #tpu.memory_space<vmem>>
        tpu.wait_dma2 semaphore(%run_scoped3A : memref<!tpu.dma_semaphore, #tpu.memory_space<semaphore_mem>>) src(%arg2 : memref<8000xf32, #tpu.memory_space<hbm>>) dst(%dma_wait3A_364 : memref<8000xf32, #tpu.memory_space<vmem>>)
        tpu.yield
      }) : () -> ()
      %swap3A_41 = arith.constant 8000 : index
      %swap3A_42 = tpu.vector_load %arg4[%swap3A_41] {strides = array<i32>} : memref<8192xf32, #tpu.memory_space<vmem>>, vector<16xf32>,
      tpu.vector_store %arg4[%swap3A_41], %broadcast_in_dim3A_1 {strides = array<i32>} : memref<8192xf32, #tpu.memory_space<vmem>>, vector<16xf32>,
      %swap3A_43 = arith.constant 8016 : index
      %swap3A_44 = tpu.vector_load %arg4[%swap3A_43] {strides = array<i32>} : memref<8192xf32, #tpu.memory_space<vmem>>, vector<16xf32>,
      tpu.vector_store %arg4[%swap3A_43], %broadcast_in_dim3A_1 {strides = array<i32>} : memref<8192xf32, #tpu.memory_space<vmem>>, vector<16xf32>,
      %swap3A_45 = arith.constant 8032 : index
      %swap3A_46 = tpu.vector_load %arg4[%swap3A_45] {strides = array<i32>} : memref<8192xf32, #tpu.memory_space<vmem>>, vector<16xf32>,
      tpu.vector_store %arg4[%swap3A_45], %broadcast_in_dim3A_1 {strides = array<i32>} : memref<8192xf32, #tpu.memory_space<vmem>>, vector<16xf32>,
      %swap3A_47 = arith.constant 8048 : index
      %swap3A_48 = tpu.vector_load %arg4[%swap3A_47] {strides = array<i32>} : memref<8192xf32, #tpu.memory_space<vmem>>, vector<16xf32>,
      tpu.vector_store %arg4[%swap3A_47], %broadcast_in_dim3A_1 {strides = array<i32>} : memref<8192xf32, #tpu.memory_space<vmem>>, vector<16xf32>,
      %swap3A_49 = arith.constant 8064 : index
      %swap3A_50 = tpu.vector_load %arg4[%swap3A_49] {strides = array<i32>} : memref<8192xf32, #tpu.memory_space<vmem>>, vector<16xf32>,
      tpu.vector_store %arg4[%swap3A_49], %broadcast_in_dim3A_1 {strides = array<i32>} : memref<8192xf32, #tpu.memory_space<vmem>>, vector<16xf32>,
      %swap3A_51 = arith.constant 8080 : index
      %swap3A_52 = tpu.vector_load %arg4[%swap3A_51] {strides = array<i32>} : memref<8192xf32, #tpu.memory_space<vmem>>, vector<16xf32>,
      tpu.vector_store %arg4[%swap3A_51], %broadcast_in_dim3A_1 {strides = array<i32>} : memref<8192xf32, #tpu.memory_space<vmem>>, vector<16xf32>,
      %swap3A_53 = arith.constant 8096 : index
      %swap3A_54 = tpu.vector_load %arg4[%swap3A_53] {strides = array<i32>} : memref<8192xf32, #tpu.memory_space<vmem>>, vector<16xf32>,
      tpu.vector_store %arg4[%swap3A_53], %broadcast_in_dim3A_1 {strides = array<i32>} : memref<8192xf32, #tpu.memory_space<vmem>>, vector<16xf32>,
      %swap3A_55 = arith.constant 8112 : index
      %swap3A_56 = tpu.vector_load %arg4[%swap3A_55] {strides = array<i32>} : memref<8192xf32, #tpu.memory_space<vmem>>, vector<16xf32>,
      tpu.vector_store %arg4[%swap3A_55], %broadcast_in_dim3A_1 {strides = array<i32>} : memref<8192xf32, #tpu.memory_space<vmem>>, vector<16xf32>,
      %swap3A_57 = arith.constant 8128 : index
      %swap3A_58 = tpu.vector_load %arg4[%swap3A_57] {strides = array<i32>} : memref<8192xf32, #tpu.memory_space<vmem>>, vector<16xf32>,
      tpu.vector_store %arg4[%swap3A_57], %broadcast_in_dim3A_1 {strides = array<i32>} : memref<8192xf32, #tpu.memory_space<vmem>>, vector<16xf32>,
      %swap3A_59 = arith.constant 8144 : index
      %swap3A_60 = tpu.vector_load %arg4[%swap3A_59] {strides = array<i32>} : memref<8192xf32, #tpu.memory_space<vmem>>, vector<16xf32>,
      tpu.vector_store %arg4[%swap3A_59], %broadcast_in_dim3A_1 {strides = array<i32>} : memref<8192xf32, #tpu.memory_space<vmem>>, vector<16xf32>,
      %swap3A_61 = arith.constant 8160 : index
      %swap3A_62 = tpu.vector_load %arg4[%swap3A_61] {strides = array<i32>} : memref<8192xf32, #tpu.memory_space<vmem>>, vector<16xf32>,
      tpu.vector_store %arg4[%swap3A_61], %broadcast_in_dim3A_1 {strides = array<i32>} : memref<8192xf32, #tpu.memory_space<vmem>>, vector<16xf32>,
      %swap3A_63 = arith.constant 8176 : index
      %swap3A_64 = tpu.vector_load %arg4[%swap3A_63] {strides = array<i32>} : memref<8192xf32, #tpu.memory_space<vmem>>, vector<16xf32>,
      tpu.vector_store %arg4[%swap3A_63], %broadcast_in_dim3A_1 {strides = array<i32>} : memref<8192xf32, #tpu.memory_space<vmem>>, vector<16xf32>,
      %add3A_65 = arith.constant 0 : i32
      %add3A_66 = arith.addi %arg1, %add3A_65 : i32
      %mul3A = arith.constant 64 : i32
      %mul3A_67 = arith.muli %add3A_66, %mul3A : i32
      %add3A_68 = arith.constant 0 : i32
      %add3A_69 = arith.addi %mul3A_67, %add3A_68 : i32
      %get3A = arith.index_cast %add3A_69 : i32 to index
      %get3A_70 = tpu.vector_load %arg4[%get3A] {strides = array<i32>} : memref<8192xf32, #tpu.memory_space<vmem>>, vector<16xf32>,
      %add3A_71 = arith.addf %broadcast_in_dim3A_1, %get3A_70 : vector<16xf32>
      %add3A_72 = arith.constant 16 : i32
      %add3A_73 = arith.addi %arg1, %add3A_72 : i32
      %mul3A_74 = arith.constant 64 : i32
      %mul3A_75 = arith.muli %add3A_73, %mul3A_74 : i32
      %add3A_76 = arith.constant 0 : i32
      %add3A_77 = arith.addi %mul3A_75, %add3A_76 : i32
      %get3A_78 = arith.index_cast %add3A_77 : i32 to index
      %get3A_79 = tpu.vector_load %arg4[%get3A_78] {strides = array<i32>} : memref<8192xf32, #tpu.memory_space<vmem>>, vector<16xf32>,
      %add3A_80 = arith.addf %add3A_71, %get3A_79 : vector<16xf32>
      %add3A_81 = arith.constant 32 : i32
      %add3A_82 = arith.addi %arg1, %add3A_81 : i32
      %mul3A_83 = arith.constant 64 : i32
      %mul3A_84 = arith.muli %add3A_82, %mul3A_83 : i32
      %add3A_85 = arith.constant 0 : i32
      %add3A_86 = arith.addi %mul3A_84, %add3A_85 : i32
      %get3A_87 = arith.index_cast %add3A_86 : i32 to index
      %get3A_88 = tpu.vector_load %arg4[%get3A_87] {strides = array<i32>} : memref<8192xf32, #tpu.memory_space<vmem>>, vector<16xf32>,
      %add3A_89 = arith.addf %add3A_80, %get3A_88 : vector<16xf32>
      %add3A_90 = arith.constant 48 : i32
      %add3A_91 = arith.addi %arg1, %add3A_90 : i32
      %mul3A_92 = arith.constant 64 : i32
      %mul3A_93 = arith.muli %add3A_91, %mul3A_92 : i32
      %add3A_94 = arith.constant 0 : i32
      %add3A_95 = arith.addi %mul3A_93, %add3A_94 : i32
      %get3A_96 = arith.index_cast %add3A_95 : i32 to index
      %get3A_97 = tpu.vector_load %arg4[%get3A_96] {strides = array<i32>} : memref<8192xf32, #tpu.memory_space<vmem>>, vector<16xf32>,
      %add3A_98 = arith.addf %add3A_89, %get3A_97 : vector<16xf32>
      %add3A_99 = arith.constant 64 : i32
      %add3A_100 = arith.addi %arg1, %add3A_99 : i32
      %mul3A_101 = arith.constant 64 : i32
      %mul3A_102 = arith.muli %add3A_100, %mul3A_101 : i32
      %add3A_103 = arith.constant 0 : i32
      %add3A_104 = arith.addi %mul3A_102, %add3A_103 : i32
      %get3A_105 = arith.index_cast %add3A_104 : i32 to index
      %get3A_106 = tpu.vector_load %arg4[%get3A_105] {strides = array<i32>} : memref<8192xf32, #tpu.memory_space<vmem>>, vector<16xf32>,
      %add3A_107 = arith.addf %add3A_98, %get3A_106 : vector<16xf32>
      %add3A_108 = arith.constant 80 : i32
      %add3A_109 = arith.addi %arg1, %add3A_108 : i32
      %mul3A_110 = arith.constant 64 : i32
      %mul3A_111 = arith.muli %add3A_109, %mul3A_110 : i32
      %add3A_112 = arith.constant 0 : i32
      %add3A_113 = arith.addi %mul3A_111, %add3A_112 : i32
      %get3A_114 = arith.index_cast %add3A_113 : i32 to index
      %get3A_115 = tpu.vector_load %arg4[%get3A_114] {strides = array<i32>} : memref<8192xf32, #tpu.memory_space<vmem>>, vector<16xf32>,
      %add3A_116 = arith.addf %add3A_107, %get3A_115 : vector<16xf32>
      %add3A_117 = arith.constant 96 : i32
      %add3A_118 = arith.addi %arg1, %add3A_117 : i32
      %mul3A_119 = arith.constant 64 : i32
      %mul3A_120 = arith.muli %add3A_118, %mul3A_119 : i32
      %add3A_121 = arith.constant 0 : i32
      %add3A_122 = arith.addi %mul3A_120, %add3A_121 : i32
      %get3A_123 = arith.index_cast %add3A_122 : i32 to index
      %get3A_124 = tpu.vector_load %arg4[%get3A_123] {strides = array<i32>} : memref<8192xf32, #tpu.memory_space<vmem>>, vector<16xf32>,
      %add3A_125 = arith.addf %add3A_116, %get3A_124 : vector<16xf32>
      %add3A_126 = arith.constant 112 : i32
      %add3A_127 = arith.addi %arg1, %add3A_126 : i32
      %mul3A_128 = arith.constant 64 : i32
      %mul3A_129 = arith.muli %add3A_127, %mul3A_128 : i32
      %add3A_130 = arith.constant 0 : i32
      %add3A_131 = arith.addi %mul3A_129, %add3A_130 : i32
      %get3A_132 = arith.index_cast %add3A_131 : i32 to index
      %get3A_133 = tpu.vector_load %arg4[%get3A_132] {strides = array<i32>} : memref<8192xf32, #tpu.memory_space<vmem>>, vector<16xf32>,
      %add3A_134 = arith.addf %add3A_125, %get3A_133 : vector<16xf32>
      %swap3A_135 = arith.constant 0 : index
      %swap3A_136 = tpu.vector_load %arg5[%swap3A_135] {strides = array<i32>} : memref<64xf32, #tpu.memory_space<vmem>>, vector<16xf32>,
      tpu.vector_store %arg5[%swap3A_135], %add3A_134 {strides = array<i32>} : memref<64xf32, #tpu.memory_space<vmem>>, vector<16xf32>,
      %add3A_137 = arith.constant 0 : i32
      %add3A_138 = arith.addi %arg1, %add3A_137 : i32
      %mul3A_139 = arith.constant 64 : i32
      %mul3A_140 = arith.muli %add3A_138, %mul3A_139 : i32
      %add3A_141 = arith.constant 16 : i32
      %add3A_142 = arith.addi %mul3A_140, %add3A_141 : i32
      %get3A_143 = arith.index_cast %add3A_142 : i32 to index
      %get3A_144 = tpu.vector_load %arg4[%get3A_143] {strides = array<i32>} : memref<8192xf32, #tpu.memory_space<vmem>>, vector<16xf32>,
      %add3A_145 = arith.addf %broadcast_in_dim3A_1, %get3A_144 : vector<16xf32>
      %add3A_146 = arith.constant 16 : i32
      %add3A_147 = arith.addi %arg1, %add3A_146 : i32
      %mul3A_148 = arith.constant 64 : i32
      %mul3A_149 = arith.muli %add3A_147, %mul3A_148 : i32
      %add3A_150 = arith.constant 16 : i32
      %add3A_151 = arith.addi %mul3A_149, %add3A_150 : i32
      %get3A_152 = arith.index_cast %add3A_151 : i32 to index
      %get3A_153 = tpu.vector_load %arg4[%get3A_152] {strides = array<i32>} : memref<8192xf32, #tpu.memory_space<vmem>>, vector<16xf32>,
      %add3A_154 = arith.addf %add3A_145, %get3A_153 : vector<16xf32>
      %add3A_155 = arith.constant 32 : i32
      %add3A_156 = arith.addi %arg1, %add3A_155 : i32
      %mul3A_157 = arith.constant 64 : i32
      %mul3A_158 = arith.muli %add3A_156, %mul3A_157 : i32
      %add3A_159 = arith.constant 16 : i32
      %add3A_160 = arith.addi %mul3A_158, %add3A_159 : i32
      %get3A_161 = arith.index_cast %add3A_160 : i32 to index
      %get3A_162 = tpu.vector_load %arg4[%get3A_161] {strides = array<i32>} : memref<8192xf32, #tpu.memory_space<vmem>>, vector<16xf32>,
      %add3A_163 = arith.addf %add3A_154, %get3A_162 : vector<16xf32>
      %add3A_164 = arith.constant 48 : i32
      %add3A_165 = arith.addi %arg1, %add3A_164 : i32
      %mul3A_166 = arith.constant 64 : i32
      %mul3A_167 = arith.muli %add3A_165, %mul3A_166 : i32
      %add3A_168 = arith.constant 16 : i32
      %add3A_169 = arith.addi %mul3A_167, %add3A_168 : i32
      %get3A_170 = arith.index_cast %add3A_169 : i32 to index
      %get3A_171 = tpu.vector_load %arg4[%get3A_170] {strides = array<i32>} : memref<8192xf32, #tpu.memory_space<vmem>>, vector<16xf32>,
      %add3A_172 = arith.addf %add3A_163, %get3A_171 : vector<16xf32>
      %add3A_173 = arith.constant 64 : i32
      %add3A_174 = arith.addi %arg1, %add3A_173 : i32
      %mul3A_175 = arith.constant 64 : i32
      %mul3A_176 = arith.muli %add3A_174, %mul3A_175 : i32
      %add3A_177 = arith.constant 16 : i32
      %add3A_178 = arith.addi %mul3A_176, %add3A_177 : i32
      %get3A_179 = arith.index_cast %add3A_178 : i32 to index
      %get3A_180 = tpu.vector_load %arg4[%get3A_179] {strides = array<i32>} : memref<8192xf32, #tpu.memory_space<vmem>>, vector<16xf32>,
      %add3A_181 = arith.addf %add3A_172, %get3A_180 : vector<16xf32>
      %add3A_182 = arith.constant 80 : i32
      %add3A_183 = arith.addi %arg1, %add3A_182 : i32
      %mul3A_184 = arith.constant 64 : i32
      %mul3A_185 = arith.muli %add3A_183, %mul3A_184 : i32
      %add3A_186 = arith.constant 16 : i32
      %add3A_187 = arith.addi %mul3A_185, %add3A_186 : i32
      %get3A_188 = arith.index_cast %add3A_187 : i32 to index
      %get3A_189 = tpu.vector_load %arg4[%get3A_188] {strides = array<i32>} : memref<8192xf32, #tpu.memory_space<vmem>>, vector<16xf32>,
      %add3A_190 = arith.addf %add3A_181, %get3A_189 : vector<16xf32>
      %add3A_191 = arith.constant 96 : i32
      %add3A_192 = arith.addi %arg1, %add3A_191 : i32
      %mul3A_193 = arith.constant 64 : i32
      %mul3A_194 = arith.muli %add3A_192, %mul3A_193 : i32
      %add3A_195 = arith.constant 16 : i32
      %add3A_196 = arith.addi %mul3A_194, %add3A_195 : i32
      %get3A_197 = arith.index_cast %add3A_196 : i32 to index
      %get3A_198 = tpu.vector_load %arg4[%get3A_197] {strides = array<i32>} : memref<8192xf32, #tpu.memory_space<vmem>>, vector<16xf32>,
      %add3A_199 = arith.addf %add3A_190, %get3A_198 : vector<16xf32>
      %add3A_200 = arith.constant 112 : i32
      %add3A_201 = arith.addi %arg1, %add3A_200 : i32
      %mul3A_202 = arith.constant 64 : i32
      %mul3A_203 = arith.muli %add3A_201, %mul3A_202 : i32
      %add3A_204 = arith.constant 16 : i32
      %add3A_205 = arith.addi %mul3A_203, %add3A_204 : i32
      %get3A_206 = arith.index_cast %add3A_205 : i32 to index
      %get3A_207 = tpu.vector_load %arg4[%get3A_206] {strides = array<i32>} : memref<8192xf32, #tpu.memory_space<vmem>>, vector<16xf32>,
      %add3A_208 = arith.addf %add3A_199, %get3A_207 : vector<16xf32>
      %swap3A_209 = arith.constant 16 : index
      %swap3A_210 = tpu.vector_load %arg5[%swap3A_209] {strides = array<i32>} : memref<64xf32, #tpu.memory_space<vmem>>, vector<16xf32>,
      tpu.vector_store %arg5[%swap3A_209], %add3A_208 {strides = array<i32>} : memref<64xf32, #tpu.memory_space<vmem>>, vector<16xf32>,
      %add3A_211 = arith.constant 0 : i32
      %add3A_212 = arith.addi %arg1, %add3A_211 : i32
      %mul3A_213 = arith.constant 64 : i32
      %mul3A_214 = arith.muli %add3A_212, %mul3A_213 : i32
      %add3A_215 = arith.constant 32 : i32
      %add3A_216 = arith.addi %mul3A_214, %add3A_215 : i32
      %get3A_217 = arith.index_cast %add3A_216 : i32 to index
      %get3A_218 = tpu.vector_load %arg4[%get3A_217] {strides = array<i32>} : memref<8192xf32, #tpu.memory_space<vmem>>, vector<16xf32>,
      %add3A_219 = arith.addf %broadcast_in_dim3A_1, %get3A_218 : vector<16xf32>
      %add3A_220 = arith.constant 16 : i32
      %add3A_221 = arith.addi %arg1, %add3A_220 : i32
      %mul3A_222 = arith.constant 64 : i32
      %mul3A_223 = arith.muli %add3A_221, %mul3A_222 : i32
      %add3A_224 = arith.constant 32 : i32
      %add3A_225 = arith.addi %mul3A_223, %add3A_224 : i32
      %get3A_226 = arith.index_cast %add3A_225 : i32 to index
      %get3A_227 = tpu.vector_load %arg4[%get3A_226] {strides = array<i32>} : memref<8192xf32, #tpu.memory_space<vmem>>, vector<16xf32>,
      %add3A_228 = arith.addf %add3A_219, %get3A_227 : vector<16xf32>
      %add3A_229 = arith.constant 32 : i32
      %add3A_230 = arith.addi %arg1, %add3A_229 : i32
      %mul3A_231 = arith.constant 64 : i32
      %mul3A_232 = arith.muli %add3A_230, %mul3A_231 : i32
      %add3A_233 = arith.constant 32 : i32
      %add3A_234 = arith.addi %mul3A_232, %add3A_233 : i32
      %get3A_235 = arith.index_cast %add3A_234 : i32 to index
      %get3A_236 = tpu.vector_load %arg4[%get3A_235] {strides = array<i32>} : memref<8192xf32, #tpu.memory_space<vmem>>, vector<16xf32>,
      %add3A_237 = arith.addf %add3A_228, %get3A_236 : vector<16xf32>
      %add3A_238 = arith.constant 48 : i32
      %add3A_239 = arith.addi %arg1, %add3A_238 : i32
      %mul3A_240 = arith.constant 64 : i32
      %mul3A_241 = arith.muli %add3A_239, %mul3A_240 : i32
      %add3A_242 = arith.constant 32 : i32
      %add3A_243 = arith.addi %mul3A_241, %add3A_242 : i32
      %get3A_244 = arith.index_cast %add3A_243 : i32 to index
      %get3A_245 = tpu.vector_load %arg4[%get3A_244] {strides = array<i32>} : memref<8192xf32, #tpu.memory_space<vmem>>, vector<16xf32>,
      %add3A_246 = arith.addf %add3A_237, %get3A_245 : vector<16xf32>
      %add3A_247 = arith.constant 64 : i32
      %add3A_248 = arith.addi %arg1, %add3A_247 : i32
      %mul3A_249 = arith.constant 64 : i32
      %mul3A_250 = arith.muli %add3A_248, %mul3A_249 : i32
      %add3A_251 = arith.constant 32 : i32
      %add3A_252 = arith.addi %mul3A_250, %add3A_251 : i32
      %get3A_253 = arith.index_cast %add3A_252 : i32 to index
      %get3A_254 = tpu.vector_load %arg4[%get3A_253] {strides = array<i32>} : memref<8192xf32, #tpu.memory_space<vmem>>, vector<16xf32>,
      %add3A_255 = arith.addf %add3A_246, %get3A_254 : vector<16xf32>
      %add3A_256 = arith.constant 80 : i32
      %add3A_257 = arith.addi %arg1, %add3A_256 : i32
      %mul3A_258 = arith.constant 64 : i32
      %mul3A_259 = arith.muli %add3A_257, %mul3A_258 : i32
      %add3A_260 = arith.constant 32 : i32
      %add3A_261 = arith.addi %mul3A_259, %add3A_260 : i32
      %get3A_262 = arith.index_cast %add3A_261 : i32 to index
      %get3A_263 = tpu.vector_load %arg4[%get3A_262] {strides = array<i32>} : memref<8192xf32, #tpu.memory_space<vmem>>, vector<16xf32>,
      %add3A_264 = arith.addf %add3A_255, %get3A_263 : vector<16xf32>
      %add3A_265 = arith.constant 96 : i32
      %add3A_266 = arith.addi %arg1, %add3A_265 : i32
      %mul3A_267 = arith.constant 64 : i32
      %mul3A_268 = arith.muli %add3A_266, %mul3A_267 : i32
      %add3A_269 = arith.constant 32 : i32
      %add3A_270 = arith.addi %mul3A_268, %add3A_269 : i32
      %get3A_271 = arith.index_cast %add3A_270 : i32 to index
      %get3A_272 = tpu.vector_load %arg4[%get3A_271] {strides = array<i32>} : memref<8192xf32, #tpu.memory_space<vmem>>, vector<16xf32>,
      %add3A_273 = arith.addf %add3A_264, %get3A_272 : vector<16xf32>
      %add3A_274 = arith.constant 112 : i32
      %add3A_275 = arith.addi %arg1, %add3A_274 : i32
      %mul3A_276 = arith.constant 64 : i32
      %mul3A_277 = arith.muli %add3A_275, %mul3A_276 : i32
      %add3A_278 = arith.constant 32 : i32
      %add3A_279 = arith.addi %mul3A_277, %add3A_278 : i32
      %get3A_280 = arith.index_cast %add3A_279 : i32 to index
      %get3A_281 = tpu.vector_load %arg4[%get3A_280] {strides = array<i32>} : memref<8192xf32, #tpu.memory_space<vmem>>, vector<16xf32>,
      %add3A_282 = arith.addf %add3A_273, %get3A_281 : vector<16xf32>
      %swap3A_283 = arith.constant 32 : index
      %swap3A_284 = tpu.vector_load %arg5[%swap3A_283] {strides = array<i32>} : memref<64xf32, #tpu.memory_space<vmem>>, vector<16xf32>,
      tpu.vector_store %arg5[%swap3A_283], %add3A_282 {strides = array<i32>} : memref<64xf32, #tpu.memory_space<vmem>>, vector<16xf32>,
      %add3A_285 = arith.constant 0 : i32
      %add3A_286 = arith.addi %arg1, %add3A_285 : i32
      %mul3A_287 = arith.constant 64 : i32
      %mul3A_288 = arith.muli %add3A_286, %mul3A_287 : i32
      %add3A_289 = arith.constant 48 : i32
      %add3A_290 = arith.addi %mul3A_288, %add3A_289 : i32
      %get3A_291 = arith.index_cast %add3A_290 : i32 to index
      %get3A_292 = tpu.vector_load %arg4[%get3A_291] {strides = array<i32>} : memref<8192xf32, #tpu.memory_space<vmem>>, vector<16xf32>,
      %add3A_293 = arith.addf %broadcast_in_dim3A_1, %get3A_292 : vector<16xf32>
      %add3A_294 = arith.constant 16 : i32
      %add3A_295 = arith.addi %arg1, %add3A_294 : i32
      %mul3A_296 = arith.constant 64 : i32
      %mul3A_297 = arith.muli %add3A_295, %mul3A_296 : i32
      %add3A_298 = arith.constant 48 : i32
      %add3A_299 = arith.addi %mul3A_297, %add3A_298 : i32
      %get3A_300 = arith.index_cast %add3A_299 : i32 to index
      %get3A_301 = tpu.vector_load %arg4[%get3A_300] {strides = array<i32>} : memref<8192xf32, #tpu.memory_space<vmem>>, vector<16xf32>,
      %add3A_302 = arith.addf %add3A_293, %get3A_301 : vector<16xf32>
      %add3A_303 = arith.constant 32 : i32
      %add3A_304 = arith.addi %arg1, %add3A_303 : i32
      %mul3A_305 = arith.constant 64 : i32
      %mul3A_306 = arith.muli %add3A_304, %mul3A_305 : i32
      %add3A_307 = arith.constant 48 : i32
      %add3A_308 = arith.addi %mul3A_306, %add3A_307 : i32
      %get3A_309 = arith.index_cast %add3A_308 : i32 to index
      %get3A_310 = tpu.vector_load %arg4[%get3A_309] {strides = array<i32>} : memref<8192xf32, #tpu.memory_space<vmem>>, vector<16xf32>,
      %add3A_311 = arith.addf %add3A_302, %get3A_310 : vector<16xf32>
      %add3A_312 = arith.constant 48 : i32
      %add3A_313 = arith.addi %arg1, %add3A_312 : i32
      %mul3A_314 = arith.constant 64 : i32
      %mul3A_315 = arith.muli %add3A_313, %mul3A_314 : i32
      %add3A_316 = arith.constant 48 : i32
      %add3A_317 = arith.addi %mul3A_315, %add3A_316 : i32
      %get3A_318 = arith.index_cast %add3A_317 : i32 to index
      %get3A_319 = tpu.vector_load %arg4[%get3A_318] {strides = array<i32>} : memref<8192xf32, #tpu.memory_space<vmem>>, vector<16xf32>,
      %add3A_320 = arith.addf %add3A_311, %get3A_319 : vector<16xf32>
      %add3A_321 = arith.constant 64 : i32
      %add3A_322 = arith.addi %arg1, %add3A_321 : i32
      %mul3A_323 = arith.constant 64 : i32
      %mul3A_324 = arith.muli %add3A_322, %mul3A_323 : i32
      %add3A_325 = arith.constant 48 : i32
      %add3A_326 = arith.addi %mul3A_324, %add3A_325 : i32
      %get3A_327 = arith.index_cast %add3A_326 : i32 to index
      %get3A_328 = tpu.vector_load %arg4[%get3A_327] {strides = array<i32>} : memref<8192xf32, #tpu.memory_space<vmem>>, vector<16xf32>,
      %add3A_329 = arith.addf %add3A_320, %get3A_328 : vector<16xf32>
      %add3A_330 = arith.constant 80 : i32
      %add3A_331 = arith.addi %arg1, %add3A_330 : i32
      %mul3A_332 = arith.constant 64 : i32
      %mul3A_333 = arith.muli %add3A_331, %mul3A_332 : i32
      %add3A_334 = arith.constant 48 : i32
      %add3A_335 = arith.addi %mul3A_333, %add3A_334 : i32
      %get3A_336 = arith.index_cast %add3A_335 : i32 to index
      %get3A_337 = tpu.vector_load %arg4[%get3A_336] {strides = array<i32>} : memref<8192xf32, #tpu.memory_space<vmem>>, vector<16xf32>,
      %add3A_338 = arith.addf %add3A_329, %get3A_337 : vector<16xf32>
      %add3A_339 = arith.constant 96 : i32
      %add3A_340 = arith.addi %arg1, %add3A_339 : i32
      %mul3A_341 = arith.constant 64 : i32
      %mul3A_342 = arith.muli %add3A_340, %mul3A_341 : i32
      %add3A_343 = arith.constant 48 : i32
      %add3A_344 = arith.addi %mul3A_342, %add3A_343 : i32
      %get3A_345 = arith.index_cast %add3A_344 : i32 to index
      %get3A_346 = tpu.vector_load %arg4[%get3A_345] {strides = array<i32>} : memref<8192xf32, #tpu.memory_space<vmem>>, vector<16xf32>,
      %add3A_347 = arith.addf %add3A_338, %get3A_346 : vector<16xf32>
      %add3A_348 = arith.constant 112 : i32
      %add3A_349 = arith.addi %arg1, %add3A_348 : i32
      %mul3A_350 = arith.constant 64 : i32
      %mul3A_351 = arith.muli %add3A_349, %mul3A_350 : i32
      %add3A_352 = arith.constant 48 : i32
      %add3A_353 = arith.addi %mul3A_351, %add3A_352 : i32
      %get3A_354 = arith.index_cast %add3A_353 : i32 to index
      %get3A_355 = tpu.vector_load %arg4[%get3A_354] {strides = array<i32>} : memref<8192xf32, #tpu.memory_space<vmem>>, vector<16xf32>,
      %add3A_356 = arith.addf %add3A_347, %get3A_355 : vector<16xf32>
      %swap3A_357 = arith.constant 48 : index
      %swap3A_358 = tpu.vector_load %arg5[%swap3A_357] {strides = array<i32>} : memref<64xf32, #tpu.memory_space<vmem>>, vector<16xf32>,
      tpu.vector_store %arg5[%swap3A_357], %add3A_356 {strides = array<i32>} : memref<64xf32, #tpu.memory_space<vmem>>, vector<16xf32>,
      "tpu.region"() ({
        %run_scoped3A = tpu.sem_alloc : memref<!tpu.dma_semaphore, #tpu.memory_space<semaphore_mem>>
        %dma_start3A = arith.constant 0 : i32
        %dma_start3A_359 = tpu.memref_slice %arg8[%dma_start3A] : memref<64xf32, #tpu.memory_space<vmem_shared>> -> memref<64xf32, #tpu.memory_space<vmem_shared>>
        tpu.enqueue_indirect_dma source(%arg5 : memref<64xf32, #tpu.memory_space<vmem>>) target(%dma_start3A_359 : memref<64xf32, #tpu.memory_space<vmem_shared>>) offsets(%arg6 : memref<64xi32, #tpu.memory_space<vmem>>) semaphore(%run_scoped3A : memref<!tpu.dma_semaphore, #tpu.memory_space<semaphore_mem>>) {add = true}
        %dma_wait3A = arith.constant 0 : i32
        %dma_wait3A_360 = tpu.memref_slice %arg8[%dma_wait3A] : memref<64xf32, #tpu.memory_space<vmem_shared>> -> memref<64xf32, #tpu.memory_space<vmem_shared>>
        tpu.wait_indirect_dma semaphore(%run_scoped3A : memref<!tpu.dma_semaphore, #tpu.memory_space<semaphore_mem>>) src(%arg5 : memref<64xf32, #tpu.memory_space<vmem>>) dst(%dma_wait3A_360 : memref<64xf32, #tpu.memory_space<vmem_shared>>)
        tpu.yield
      }) : () -> ()
    } else {
    }
    %barrier3A_34 = arith.constant 0 : index
    tpu.barrier barrier_id(%barrier3A_34)
    %eq3A_35 = arith.constant 0 : i32
    %eq3A_36 = arith.cmpi eq, %arg1, %eq3A_35 : i32
    %and3A_37 = arith.andi %eq3A_0, %eq3A_36 : i1
    %convert_element_type3A_38 = arith.extui %and3A_37 : i1 to i32
    %cond3A_39 = arith.constant 0 : i32
    %cond3A_40 = arith.cmpi ne, %convert_element_type3A_38, %cond3A_39 : i32
    scf.if %cond3A_40 {
      "tpu.region"() ({
        %run_scoped3A = tpu.sem_alloc : memref<!tpu.dma_semaphore, #tpu.memory_space<semaphore_mem>>
        tpu.enqueue_dma source(%arg8 : memref<64xf32, #tpu.memory_space<vmem_shared>>) target(%arg5 : memref<64xf32, #tpu.memory_space<vmem>>) target_semaphore(%run_scoped3A : memref<!tpu.dma_semaphore, #tpu.memory_space<semaphore_mem>>)
        tpu.wait_dma2 semaphore(%run_scoped3A : memref<!tpu.dma_semaphore, #tpu.memory_space<semaphore_mem>>) src(%arg8 : memref<64xf32, #tpu.memory_space<vmem_shared>>) dst(%arg5 : memref<64xf32, #tpu.memory_space<vmem>>)
        tpu.yield
      }) : () -> ()
      %get3A = arith.constant 0 : index
      %get3A_41 = tpu.vector_load %arg5[%get3A] {strides = array<i32>} : memref<64xf32, #tpu.memory_space<vmem>>, vector<16xf32>,
      %mul3A = arith.constant 9.99999997E-7 : f32
      %mul3A_42 = vector.broadcast %mul3A : f32 to vector<16xf32>
      %mul3A_43 = arith.mulf %get3A_41, %mul3A_42 : vector<16xf32>
      %swap3A_44 = arith.constant 0 : index
      %swap3A_45 = tpu.vector_load %arg7[%swap3A_44] {strides = array<i32>} : memref<64xf32, #tpu.memory_space<vmem>>, vector<16xf32>,
      tpu.vector_store %arg7[%swap3A_44], %mul3A_43 {strides = array<i32>} : memref<64xf32, #tpu.memory_space<vmem>>, vector<16xf32>,
      %get3A_46 = arith.constant 16 : index
      %get3A_47 = tpu.vector_load %arg5[%get3A_46] {strides = array<i32>} : memref<64xf32, #tpu.memory_space<vmem>>, vector<16xf32>,
      %mul3A_48 = arith.constant 9.99999997E-7 : f32
      %mul3A_49 = vector.broadcast %mul3A_48 : f32 to vector<16xf32>
      %mul3A_50 = arith.mulf %get3A_47, %mul3A_49 : vector<16xf32>
      %swap3A_51 = arith.constant 16 : index
      %swap3A_52 = tpu.vector_load %arg7[%swap3A_51] {strides = array<i32>} : memref<64xf32, #tpu.memory_space<vmem>>, vector<16xf32>,
      tpu.vector_store %arg7[%swap3A_51], %mul3A_50 {strides = array<i32>} : memref<64xf32, #tpu.memory_space<vmem>>, vector<16xf32>,
      %get3A_53 = arith.constant 32 : index
      %get3A_54 = tpu.vector_load %arg5[%get3A_53] {strides = array<i32>} : memref<64xf32, #tpu.memory_space<vmem>>, vector<16xf32>,
      %mul3A_55 = arith.constant 9.99999997E-7 : f32
      %mul3A_56 = vector.broadcast %mul3A_55 : f32 to vector<16xf32>
      %mul3A_57 = arith.mulf %get3A_54, %mul3A_56 : vector<16xf32>
      %swap3A_58 = arith.constant 32 : index
      %swap3A_59 = tpu.vector_load %arg7[%swap3A_58] {strides = array<i32>} : memref<64xf32, #tpu.memory_space<vmem>>, vector<16xf32>,
      tpu.vector_store %arg7[%swap3A_58], %mul3A_57 {strides = array<i32>} : memref<64xf32, #tpu.memory_space<vmem>>, vector<16xf32>,
      %get3A_60 = arith.constant 48 : index
      %get3A_61 = tpu.vector_load %arg5[%get3A_60] {strides = array<i32>} : memref<64xf32, #tpu.memory_space<vmem>>, vector<16xf32>,
      %mul3A_62 = arith.constant 9.99999997E-7 : f32
      %mul3A_63 = vector.broadcast %mul3A_62 : f32 to vector<16xf32>
      %mul3A_64 = arith.mulf %get3A_61, %mul3A_63 : vector<16xf32>
      %swap3A_65 = arith.constant 48 : index
      %swap3A_66 = tpu.vector_load %arg7[%swap3A_65] {strides = array<i32>} : memref<64xf32, #tpu.memory_space<vmem>>, vector<16xf32>,
      tpu.vector_store %arg7[%swap3A_65], %mul3A_64 {strides = array<i32>} : memref<64xf32, #tpu.memory_space<vmem>>, vector<16xf32>,
      "tpu.region"() ({
        %run_scoped3A = tpu.sem_alloc : memref<!tpu.dma_semaphore, #tpu.memory_space<semaphore_mem>>
        tpu.enqueue_dma source(%arg7 : memref<64xf32, #tpu.memory_space<vmem>>) target(%arg3 : memref<64xf32, #tpu.memory_space<hbm>>) target_semaphore(%run_scoped3A : memref<!tpu.dma_semaphore, #tpu.memory_space<semaphore_mem>>)
        tpu.wait_dma2 semaphore(%run_scoped3A : memref<!tpu.dma_semaphore, #tpu.memory_space<semaphore_mem>>) src(%arg7 : memref<64xf32, #tpu.memory_space<vmem>>) dst(%arg3 : memref<64xf32, #tpu.memory_space<hbm>>)
        tpu.yield
      }) : () -> ()
    } else {
    }
    return
  }
}

module attributes {stable_mosaic.version = 14 : i64} {
  func.func @_argmax_body(%arg0: i32, %arg1: memref<8000x64xf32, #tpu.memory_space<vmem>>, %arg2: memref<1x1x64xf32, #tpu.memory_space<vmem>>) attributes {dimension_semantics = [#tpu.dimension_semantics<arbitrary>], iteration_bounds = array<i64: 125>, scalar_prefetch = 0 : i64, scratch_operands = 0 : i64, tpu.core_type = #tpu.core_type<tc>, window_params = [{transform_indices = @transform_0, window_bounds = array<i64: 8000, 64>}, {transform_indices = @transform_1, window_bounds = array<i64: 1, 1, 64>}]} {
    %iota3A = tpu.iota {dimensions = array<i32: 0>} : vector<64x64xi32>
    %iota3A_0 = tpu.iota {dimensions = array<i32: 1>} : vector<64x64xi32>
    %lt3A = arith.cmpi slt, %iota3A, %iota3A_0 : vector<64x64xi32>
    %jit3A = arith.constant 1.000000e+00 : f32
    %jit3A_1 = arith.constant 0.000000e+00 : f32
    %broadcast_in_dim3A = vector.broadcast %jit3A : f32 to vector<64x64xf32>
    %broadcast_in_dim3A_2 = vector.broadcast %jit3A_1 : f32 to vector<64x64xf32>
    %select_n3A = arith.select %lt3A, %broadcast_in_dim3A, %broadcast_in_dim3A_2 : vector<64x64xi1>, vector<64x64xf32>
    %broadcast_in_dim3A_3 = arith.constant 0.000000e+00 : f32
    %broadcast_in_dim3A_4 = vector.broadcast %broadcast_in_dim3A_3 : f32 to vector<1x64xf32>
    %get3A = arith.constant 0 : index
    %get3A_5 = arith.constant 0 : index
    %get3A_6 = vector.load %arg1[%get3A, %get3A_5] : memref<8000x64xf32, #tpu.memory_space<vmem>>, vector<2000x64xf32>
    %reduce_max3A = arith.constant dense<0xFF800000> : vector<2000xf32>
    %reduce_max3A_7 = vector.multi_reduction <maximumf>, %get3A_6, %reduce_max3A [1] : vector<2000x64xf32> to vector<2000xf32>
    %broadcast_in_dim3A_8 = vector.shape_cast %reduce_max3A_7 : vector<2000xf32> to vector<2000x1xf32>
    %eq3A = vector.broadcast %broadcast_in_dim3A_8 : vector<2000x1xf32> to vector<2000x64xf32>
    %eq3A_9 = arith.cmpf oeq, %get3A_6, %eq3A : vector<2000x64xf32>
    %jit3A_10 = arith.constant 1.000000e+00 : f32
    %jit3A_11 = arith.constant 0.000000e+00 : f32
    %broadcast_in_dim3A_12 = vector.broadcast %jit3A_10 : f32 to vector<2000x64xf32>
    %broadcast_in_dim3A_13 = vector.broadcast %jit3A_11 : f32 to vector<2000x64xf32>
    %select_n3A_14 = arith.select %eq3A_9, %broadcast_in_dim3A_12, %broadcast_in_dim3A_13 : vector<2000x64xi1>, vector<2000x64xf32>
    %dot_general3A = arith.constant dense<0.000000e+00> : vector<2000x64xf32>
    %dot_general3A_15 = tpu.matmul %select_n3A_14, %select_n3A, %dot_general3A {dimension_numbers = #tpu.dot_dimension_numbers<[1], [0], [0], [1], [0, 0, 1, 1], [], []>, transpose_lhs_hint = false} : vector<2000x64xf32>, vector<64x64xf32>, vector<2000x64xf32> -> vector<2000x64xf32>
    %eq3A_16 = arith.constant 0.000000e+00 : f32
    %eq3A_17 = vector.broadcast %eq3A_16 : f32 to vector<2000x64xf32>
    %eq3A_18 = arith.cmpf oeq, %dot_general3A_15, %eq3A_17 : vector<2000x64xf32>
    %jit3A_19 = arith.constant 0.000000e+00 : f32
    %broadcast_in_dim3A_20 = vector.broadcast %jit3A_19 : f32 to vector<2000x64xf32>
    %select_n3A_21 = arith.select %eq3A_18, %select_n3A_14, %broadcast_in_dim3A_20 : vector<2000x64xi1>, vector<2000x64xf32>
    %reduce_sum3A = arith.constant dense<0.000000e+00> : vector<64xf32>
    %reduce_sum3A_22 = vector.multi_reduction <add>, %select_n3A_21, %reduce_sum3A [0] : vector<2000x64xf32> to vector<64xf32>
    %broadcast_in_dim3A_23 = vector.shape_cast %reduce_sum3A_22 : vector<64xf32> to vector<1x64xf32>
    %add3A = arith.addf %broadcast_in_dim3A_4, %broadcast_in_dim3A_23 : vector<1x64xf32>
    %get3A_24 = arith.constant 2000 : index
    %get3A_25 = arith.constant 0 : index
    %get3A_26 = vector.load %arg1[%get3A_24, %get3A_25] : memref<8000x64xf32, #tpu.memory_space<vmem>>, vector<2000x64xf32>
    %reduce_max3A_27 = arith.constant dense<0xFF800000> : vector<2000xf32>
    %reduce_max3A_28 = vector.multi_reduction <maximumf>, %get3A_26, %reduce_max3A_27 [1] : vector<2000x64xf32> to vector<2000xf32>
    %broadcast_in_dim3A_29 = vector.shape_cast %reduce_max3A_28 : vector<2000xf32> to vector<2000x1xf32>
    %eq3A_30 = vector.broadcast %broadcast_in_dim3A_29 : vector<2000x1xf32> to vector<2000x64xf32>
    %eq3A_31 = arith.cmpf oeq, %get3A_26, %eq3A_30 : vector<2000x64xf32>
    %jit3A_32 = arith.constant 1.000000e+00 : f32
    %jit3A_33 = arith.constant 0.000000e+00 : f32
    %broadcast_in_dim3A_34 = vector.broadcast %jit3A_32 : f32 to vector<2000x64xf32>
    %broadcast_in_dim3A_35 = vector.broadcast %jit3A_33 : f32 to vector<2000x64xf32>
    %select_n3A_36 = arith.select %eq3A_31, %broadcast_in_dim3A_34, %broadcast_in_dim3A_35 : vector<2000x64xi1>, vector<2000x64xf32>
    %dot_general3A_37 = arith.constant dense<0.000000e+00> : vector<2000x64xf32>
    %dot_general3A_38 = tpu.matmul %select_n3A_36, %select_n3A, %dot_general3A_37 {dimension_numbers = #tpu.dot_dimension_numbers<[1], [0], [0], [1], [0, 0, 1, 1], [], []>, transpose_lhs_hint = false} : vector<2000x64xf32>, vector<64x64xf32>, vector<2000x64xf32> -> vector<2000x64xf32>
    %eq3A_39 = arith.constant 0.000000e+00 : f32
    %eq3A_40 = vector.broadcast %eq3A_39 : f32 to vector<2000x64xf32>
    %eq3A_41 = arith.cmpf oeq, %dot_general3A_38, %eq3A_40 : vector<2000x64xf32>
    %jit3A_42 = arith.constant 0.000000e+00 : f32
    %broadcast_in_dim3A_43 = vector.broadcast %jit3A_42 : f32 to vector<2000x64xf32>
    %select_n3A_44 = arith.select %eq3A_41, %select_n3A_36, %broadcast_in_dim3A_43 : vector<2000x64xi1>, vector<2000x64xf32>
    %reduce_sum3A_45 = arith.constant dense<0.000000e+00> : vector<64xf32>
    %reduce_sum3A_46 = vector.multi_reduction <add>, %select_n3A_44, %reduce_sum3A_45 [0] : vector<2000x64xf32> to vector<64xf32>
    %broadcast_in_dim3A_47 = vector.shape_cast %reduce_sum3A_46 : vector<64xf32> to vector<1x64xf32>
    %add3A_48 = arith.addf %add3A, %broadcast_in_dim3A_47 : vector<1x64xf32>
    %get3A_49 = arith.constant 4000 : index
    %get3A_50 = arith.constant 0 : index
    %get3A_51 = vector.load %arg1[%get3A_49, %get3A_50] : memref<8000x64xf32, #tpu.memory_space<vmem>>, vector<2000x64xf32>
    %reduce_max3A_52 = arith.constant dense<0xFF800000> : vector<2000xf32>
    %reduce_max3A_53 = vector.multi_reduction <maximumf>, %get3A_51, %reduce_max3A_52 [1] : vector<2000x64xf32> to vector<2000xf32>
    %broadcast_in_dim3A_54 = vector.shape_cast %reduce_max3A_53 : vector<2000xf32> to vector<2000x1xf32>
    %eq3A_55 = vector.broadcast %broadcast_in_dim3A_54 : vector<2000x1xf32> to vector<2000x64xf32>
    %eq3A_56 = arith.cmpf oeq, %get3A_51, %eq3A_55 : vector<2000x64xf32>
    %jit3A_57 = arith.constant 1.000000e+00 : f32
    %jit3A_58 = arith.constant 0.000000e+00 : f32
    %broadcast_in_dim3A_59 = vector.broadcast %jit3A_57 : f32 to vector<2000x64xf32>
    %broadcast_in_dim3A_60 = vector.broadcast %jit3A_58 : f32 to vector<2000x64xf32>
    %select_n3A_61 = arith.select %eq3A_56, %broadcast_in_dim3A_59, %broadcast_in_dim3A_60 : vector<2000x64xi1>, vector<2000x64xf32>
    %dot_general3A_62 = arith.constant dense<0.000000e+00> : vector<2000x64xf32>
    %dot_general3A_63 = tpu.matmul %select_n3A_61, %select_n3A, %dot_general3A_62 {dimension_numbers = #tpu.dot_dimension_numbers<[1], [0], [0], [1], [0, 0, 1, 1], [], []>, transpose_lhs_hint = false} : vector<2000x64xf32>, vector<64x64xf32>, vector<2000x64xf32> -> vector<2000x64xf32>
    %eq3A_64 = arith.constant 0.000000e+00 : f32
    %eq3A_65 = vector.broadcast %eq3A_64 : f32 to vector<2000x64xf32>
    %eq3A_66 = arith.cmpf oeq, %dot_general3A_63, %eq3A_65 : vector<2000x64xf32>
    %jit3A_67 = arith.constant 0.000000e+00 : f32
    %broadcast_in_dim3A_68 = vector.broadcast %jit3A_67 : f32 to vector<2000x64xf32>
    %select_n3A_69 = arith.select %eq3A_66, %select_n3A_61, %broadcast_in_dim3A_68 : vector<2000x64xi1>, vector<2000x64xf32>
    %reduce_sum3A_70 = arith.constant dense<0.000000e+00> : vector<64xf32>
    %reduce_sum3A_71 = vector.multi_reduction <add>, %select_n3A_69, %reduce_sum3A_70 [0] : vector<2000x64xf32> to vector<64xf32>
    %broadcast_in_dim3A_72 = vector.shape_cast %reduce_sum3A_71 : vector<64xf32> to vector<1x64xf32>
    %add3A_73 = arith.addf %add3A_48, %broadcast_in_dim3A_72 : vector<1x64xf32>
    %get3A_74 = arith.constant 6000 : index
    %get3A_75 = arith.constant 0 : index
    %get3A_76 = vector.load %arg1[%get3A_74, %get3A_75] : memref<8000x64xf32, #tpu.memory_space<vmem>>, vector<2000x64xf32>
    %reduce_max3A_77 = arith.constant dense<0xFF800000> : vector<2000xf32>
    %reduce_max3A_78 = vector.multi_reduction <maximumf>, %get3A_76, %reduce_max3A_77 [1] : vector<2000x64xf32> to vector<2000xf32>
    %broadcast_in_dim3A_79 = vector.shape_cast %reduce_max3A_78 : vector<2000xf32> to vector<2000x1xf32>
    %eq3A_80 = vector.broadcast %broadcast_in_dim3A_79 : vector<2000x1xf32> to vector<2000x64xf32>
    %eq3A_81 = arith.cmpf oeq, %get3A_76, %eq3A_80 : vector<2000x64xf32>
    %jit3A_82 = arith.constant 1.000000e+00 : f32
    %jit3A_83 = arith.constant 0.000000e+00 : f32
    %broadcast_in_dim3A_84 = vector.broadcast %jit3A_82 : f32 to vector<2000x64xf32>
    %broadcast_in_dim3A_85 = vector.broadcast %jit3A_83 : f32 to vector<2000x64xf32>
    %select_n3A_86 = arith.select %eq3A_81, %broadcast_in_dim3A_84, %broadcast_in_dim3A_85 : vector<2000x64xi1>, vector<2000x64xf32>
    %dot_general3A_87 = arith.constant dense<0.000000e+00> : vector<2000x64xf32>
    %dot_general3A_88 = tpu.matmul %select_n3A_86, %select_n3A, %dot_general3A_87 {dimension_numbers = #tpu.dot_dimension_numbers<[1], [0], [0], [1], [0, 0, 1, 1], [], []>, transpose_lhs_hint = false} : vector<2000x64xf32>, vector<64x64xf32>, vector<2000x64xf32> -> vector<2000x64xf32>
    %eq3A_89 = arith.constant 0.000000e+00 : f32
    %eq3A_90 = vector.broadcast %eq3A_89 : f32 to vector<2000x64xf32>
    %eq3A_91 = arith.cmpf oeq, %dot_general3A_88, %eq3A_90 : vector<2000x64xf32>
    %jit3A_92 = arith.constant 0.000000e+00 : f32
    %broadcast_in_dim3A_93 = vector.broadcast %jit3A_92 : f32 to vector<2000x64xf32>
    %select_n3A_94 = arith.select %eq3A_91, %select_n3A_86, %broadcast_in_dim3A_93 : vector<2000x64xi1>, vector<2000x64xf32>
    %reduce_sum3A_95 = arith.constant dense<0.000000e+00> : vector<64xf32>
    %reduce_sum3A_96 = vector.multi_reduction <add>, %select_n3A_94, %reduce_sum3A_95 [0] : vector<2000x64xf32> to vector<64xf32>
    %broadcast_in_dim3A_97 = vector.shape_cast %reduce_sum3A_96 : vector<64xf32> to vector<1x64xf32>
    %add3A_98 = arith.addf %add3A_73, %broadcast_in_dim3A_97 : vector<1x64xf32>
    %reshape3A = vector.shape_cast %add3A_98 : vector<1x64xf32> to vector<1x1x64xf32>
    %swap3A = arith.constant 0 : index
    %swap3A_99 = arith.constant 0 : index
    %swap3A_100 = arith.constant 0 : index
    %swap3A_101 = vector.load %arg2[%swap3A, %swap3A_99, %swap3A_100] : memref<1x1x64xf32, #tpu.memory_space<vmem>>, vector<1x1x64xf32>
    tpu.vector_store %arg2[%swap3A, %swap3A_99, %swap3A_100], %reshape3A {strides = array<i32>} : memref<1x1x64xf32, #tpu.memory_space<vmem>>, vector<1x1x64xf32>,
    return
  }
  func.func @transform_0(%arg0: i32) -> (i32, i32) {
    %c0_i32 = arith.constant 0 : i32
    %c0_i32_0 = arith.constant 0 : i32
    return %arg0, %c0_i32 : i32, i32
  }
  func.func @transform_1(%arg0: i32) -> (i32, i32, i32) {
    %c0_i32 = arith.constant 0 : i32
    %c0_i32_0 = arith.constant 0 : i32
    %c0_i32_1 = arith.constant 0 : i32
    return %arg0, %c0_i32, %c0_i32_0 : i32, i32, i32
  }
}

</mosaic_0001>

<sc_bundles>
// kernel: kernel.4.cloned.1.call-start
scs
__scs_entry_jumppad:
0x0: {  	(pc) =	sbr.rel $0x88, $3  }
0x1: {  	(tag) =	ssettag $0x0;
	lr =	simm.s32 $0x1  }
0x2: {  	[smem:$0x3FA0] =	sst lr;
	_ =	strace $0xD0000000  }
0x3: {  	_ = 	snop  }
0x4: {  	_ = 	snop  }
0x5: {  	_ = 	snop  }
0x6: {  	_ = 	snop  }
0x7: {  	_ = 	snop  }
__scs_overlays_trampoline_lowered:
0x8: {  	[smem:$0x3FAF] =	sst s0  }
0x9: {  	[smem:$0x3FB0] =	sst s1  }
0xa: {  	[smem:$0x3FB1] =	sst s2  }
0xb: {  	[smem:$0x3FB2] =	sst s3  }
0xc: {  	[smem:$0x3FB3] =	sst s4  }
0xd: {  	[smem:$0x3FB4] =	sst s5  }
0xe: {  	[smem:$0x3FB5] =	sst s6  }
0xf: {  	[smem:$0x3FB6] =	sst s7  }
0x10: {  	[smem:$0x3FB7] =	sst s8  }
0x11: {  	[smem:$0x3FB8] =	sst s9;
	s0 =	simm.s32 @!p0 $0x0  }
0x12: {  	s1 =	sld [smem:$0x3F9E];
	s0 =	simm.s32 @p0 $0x1  }
0x13: {  	[smem:$0x3FB9] =	sst s0;
	s0 =	simm.s32 @!p1 $0x0  }
0x14: {  	s2 =	sld [smem:$0x3F9D];
	s0 =	simm.s32 @p1 $0x1  }
0x15: {  	[smem:$0x3FBA] =	sst s0;
	s0 =	simm.s32 @!p2 $0x0  }
0x16: {  	s3 =	sld [smem:$0x3FDB];
	s0 =	simm.s32 @p2 $0x1  }
0x17: {  	s4 =	simm.s32 $0x1BF5;
	[smem:$0x3FBC] =	sst s0  }
0x18: {  	s0 =	sld [smem:$0x3F9F];
	_ =	swait.ge [sflag:s4], $0x0  }
0x19: {  	s7 =	sld [smem:$0x3FA0]  }
0x1a: {  	s8 =	sadd.s32 $0xFFFFE003, lr  }
0x1b: {  	s9 =	sadd.s32 $0xFFFFFEF7, lr;
	s5 =	simm.s32 $0xFFFFFFFF;
	p2 =	slt.u32 s8, $0xFFFFF086  }
0x1c: {  	p1 =	slt.u32 s9, $0xF7A;
	s5 =	simm.s32 @!p2 $0x0  }
0x1d: {  	s5 =	simm.s32 @p1 $0x1;
	p0 =	seq.s32 s7, s2  }
0x1e: {  	s7 =	smul.u32 @!p0 $0xF7A, s2;
	p2 =	seq.s32 @!p0 s5, $0x0  }
0x1f: {  	s9 =	smul.u32 $0xF7A, s1;
	s8 =	simm.s32 @!p0 $0x1BF5;
	p2 =	por !p2, p0  }
0x20: {  	[sflag:s8] =	ssyncset.s32 @!p0 $0xFFFFF086;
	s6 =	sadd.s32 @!p0 s3, s7;
	s7 =	simm.s32 @!p0 $0x108  }
0x21: {  	s3 =	sadd.s32 s3, s9;
	s6 =	sadd.s32 @!p0 $0x88, s6;
	s7 =	simm.s32 @p2 $0x1082  }
0x22: {  	[simem:s7], [sflag:s8] =	dma.local @!p0 [hbm:s6], $0xF7A  }
0x23: {  	s9 =	sor.u32 $0xD0000000, s2;
	s6 =	simm.s32 $0x108;
	_ =	swait.ge @!p0 [sflag:s8], $0x0  }
0x24: {  	s3 =	sadd.s32 $0x88, s3;
	s6 =	simm.s32 @!p1 $0x1082;
	[sflag:s4] =	ssyncset.s32 $0xFFFFF086  }
0x25: {  	[simem:s6], [sflag:s4] =	dma.local [hbm:s3], $0xF7A  }
0x26: {  	[smem:$0x3FA0] =	sst s1;
	(tag) =	ssettag s2;
	_ =	strace s9  }
0x27: {  	s1 =	sld [smem:$0x3FB0]  }
0x28: {  	s2 =	sld [smem:$0x3FB1]  }
0x29: {  	s4 =	sld [smem:$0x3FB3]  }
0x2a: {  	p0 =	seq.s32 s5, $0x0;
	s5 =	sld [smem:$0x3FB4]  }
0x2b: {  	s6 =	sld [smem:$0x3FB5]  }
0x2c: {  	s7 =	sld [smem:$0x3FB6]  }
0x2d: {  	s3 =	simm.s32 $0x108;
	s8 =	sld [smem:$0x3FB7]  }
0x2e: {  	s3 =	simm.s32 @!p0 $0x1082;
	s9 =	sld [smem:$0x3FB8]  }
0x2f: {  	lr =	sadd.s32 s0, s3;
	s0 =	sld [smem:$0x3FAF]  }
0x30: {  	s3 =	sld [smem:$0x3FB2]  }
0x31: {  	[smem:$0x3FBB] =	sst s10  }
0x32: {  	s10 =	sld [smem:$0x3FB9];
	_ =	sdelay $0x3  }
0x33: {  	p0 =	seq.s32 s10, $0x1;
	s10 =	sld [smem:$0x3FBB];
	_ =	sdelay $0x3  }
0x34: {  	[smem:$0x3FBB] =	sst s10  }
0x35: {  	s10 =	sld [smem:$0x3FBA];
	_ =	sdelay $0x3  }
0x36: {  	p1 =	seq.s32 s10, $0x1;
	s10 =	sld [smem:$0x3FBB];
	_ =	sdelay $0x3  }
0x37: {  	[smem:$0x3FBB] =	sst s10  }
0x38: {  	s10 =	sld [smem:$0x3FBC]  }
0x39: {  	_ = 	snop;
	(pc) =	sbr.ind lr, $3  }
0x3a: {  	_ = 	snop  }
0x3b: {  	_ = 	snop  }
0x3c: {  	p2 =	seq.s32 s10, $0x1;
	s10 =	sld [smem:$0x3FBB]  }
0x3d: {  	_ =	shalt  }
0x3e: {  	_ =	shalt  }
0x3f: {  	_ =	shalt  }
0x40: {  	_ =	shalt  }
0x41: {  	_ =	shalt  }
0x42: {  	_ =	shalt  }
0x43: {  	_ =	shalt  }
0x44: {  	_ =	shalt  }
0x45: {  	_ =	shalt  }
0x46: {  	_ =	shalt  }
0x47: {  	_ =	shalt  }
0x48: {  	_ =	shalt  }
0x49: {  	_ =	shalt  }
0x4a: {  	_ =	shalt  }
0x4b: {  	_ =	shalt  }
0x4c: {  	_ =	shalt  }
0x4d: {  	_ =	shalt  }
0x4e: {  	_ =	shalt  }
0x4f: {  	_ =	shalt  }
0x50: {  	_ =	shalt  }
0x51: {  	_ =	shalt  }
0x52: {  	_ =	shalt  }
0x53: {  	_ =	shalt  }
0x54: {  	_ =	shalt  }
0x55: {  	_ =	shalt  }
0x56: {  	_ =	shalt  }
0x57: {  	_ =	shalt  }
0x58: {  	_ =	shalt  }
0x59: {  	_ =	shalt  }
0x5a: {  	_ =	shalt  }
0x5b: {  	_ =	shalt  }
0x5c: {  	_ =	shalt  }
0x5d: {  	_ =	shalt  }
0x5e: {  	_ =	shalt  }
0x5f: {  	_ =	shalt  }
0x60: {  	_ =	shalt  }
0x61: {  	_ =	shalt  }
0x62: {  	_ =	shalt  }
0x63: {  	_ =	shalt  }
0x64: {  	_ =	shalt  }
0x65: {  	_ =	shalt  }
0x66: {  	_ =	shalt  }
0x67: {  	_ =	shalt  }
0x68: {  	_ =	shalt  }
0x69: {  	_ =	shalt  }
0x6a: {  	_ =	shalt  }
0x6b: {  	_ =	shalt  }
0x6c: {  	_ =	shalt  }
0x6d: {  	_ =	shalt  }
0x6e: {  	_ =	shalt  }
0x6f: {  	_ =	shalt  }
0x70: {  	_ =	shalt  }
0x71: {  	_ =	shalt  }
0x72: {  	_ =	shalt  }
0x73: {  	_ =	shalt  }
0x74: {  	_ =	shalt  }
0x75: {  	_ =	shalt  }
0x76: {  	_ =	shalt  }
0x77: {  	_ =	shalt  }
0x78: {  	_ =	shalt  }
0x79: {  	_ =	shalt  }
0x7a: {  	_ =	shalt  }
0x7b: {  	_ =	shalt  }
0x7c: {  	_ =	shalt  }
0x7d: {  	_ =	shalt  }
0x7e: {  	_ =	shalt  }
0x7f: {  	_ =	shalt  }
0x80: {  	_ =	shalt  }
0x81: {  	_ =	shalt  }
0x82: {  	_ =	shalt  }
0x83: {  	_ =	shalt  }
0x84: {  	_ =	shalt  }
0x85: {  	_ =	shalt  }
0x86: {  	_ =	shalt  }
0x87: {  	_ =	shalt  }
.Lfunc_end0:
.L_simem_size_0:
called_computation_lowered:
.L_overlay_start_0:
0x88: {  	s2 =	sld [smem:$0x3FD9]  }
0x89: {  	s3 =	sld [smem:$0x3FFE];
	_ =	sdelay $0x1  }
0x8a: {  	s1 =	srdreg.scid  }
0x8b: {  	s0 =	sand.u32 $0x1, s1  }
0x8c: {  	s17 =	sshll.u32 s0, $0xA;
	s2 =	sadd.s32 s3, s2  }
0x8d: {  	s2 =	sadd.s32 s2, s17  }
0x8e: {  	[smem:$0x3FC7] =	sst s2  }
0x8f: {  	_ = 	snop  }
0x90: {  	s2 =	sld [smem:$0x3FD0];
	(tm) =	ssettm $0x1  }
0x91: {  	s18 =	sld [smem:$0x3FFB];
	_ =	sdelay $0x3  }
0x92: {  	_ =	strace s18  }
0x93: {  	s3 =	sld [smem:$0x3FFC];
	_ =	sdelay $0x3  }
0x94: {  	_ =	strace s3  }
0x95: {  	s3 =	sld [smem:$0x3FFD];
	_ =	sdelay $0x3  }
0x96: {  	_ =	strace s3  }
0x97: {  	_ =	strace $0x8FFFFFFF  }
0x98: {  	s19 =	sld [smem:$0x3FDB];
	_ =	sdelay $0x1  }
0x99: {  	s4 =	simm.s32 $_scs_section_size  }
0x9a: {  	s5 =	simm.s32 $_size__tile_overlayer_lowered;
	s6 =	simm.s32 $_tile_overlayer_lowered  }
0x9b: {  	s22 =	simm.s32 $0x1BFF;
	s21 =	sshll.u32 s6, $0x1;
	s3 =	sadd.s32 s4, s19  }
0x9c: {  	s7 =	simm.s32 $0x0;
	s20 =	sshll.u32 s5, $0x1;
	s5 =	sadd.s32 s21, s3  }
0x9d: {  	[timem:s7], [sflag:s22] =	dma.local [hbm:s5], s20  }
0x9e: {  	_ =	swait.ge [sflag:s22], s20  }
0x9f: {  	s4 =	ssub.s32 $0x0, s20;
	[sflag:s22] =	ssyncset.done $0x0  }
0xa0: {  	[sflag:s22] =	ssyncadd.s32 s4;
	_ =	sdelay $0x1  }
0xa1: {  	s23 =	simm.s32 $0x1B8B  }
0xa2: {  	_ =	swait.ge [sflag:s23], $0x1  }
0xa3: {  	[sflag:s23] =	ssyncset.done $0x0  }
0xa4: {  	s25 =	simm.s32 $0x1B8E;
	s24 =	sld [smem:$0x3FFE];
	[sflag:s23] =	ssyncadd.s32 $0xFFFFFFFF  }
0xa5: {  	s26 =	simm.s32 $execute0_lowered;
	[smem:$0x3FD2] =	sst s25  }
0xa6: {  	s5 =	sshll.u32 s26, $0x1;
	_ =	strace $0x80000046;
	[dreg:$0x1] =	wrdreg $0xFFFFFFFF  }
0xa7: {  	s28 =	simm.s32 $_size_execute0_lowered;
	s3 =	sadd.s32 s3, s5;
	[dreg:$0x0] =	wrdreg $0x0  }
0xa8: {  	s5 =	sshll.u32 s28, $0x1;
	[dreg:$0x2] =	wrdreg s3  }
0xa9: {  	[dreg:$0x3] =	wrdreg s5  }
0xaa: {  	[dreg:$0x4] =	wrdreg $0xC0  }
0xab: {  	_ =	task [dreg:s7], $0x5FFFF  }
0xac: {  	[dreg:$0x1] =	wrdreg $0xFFFFFFFF  }
0xad: {  	[dreg:$0x0] =	wrdreg $0x60  }
0xae: {  	[dreg:$0x2] =	wrdreg s24  }
0xaf: {  	[dreg:$0x3] =	wrdreg s2  }
0xb0: {  	[dreg:$0x4] =	wrdreg $0x21800  }
0xb1: {  	[dreg:$0x5] =	wrdreg $0x9  }
0xb2: {  	_ =	task.clear_ibuf [dreg:s7], $0x6FFFF;
	_ =	strace $0x90000046  }
0xb3: {  	s29 =	simm.s32 $0x9;
	_ =	strace $0x80000048  }
0xb4: {  	_ =	swait.ge [sflag:s29], $0x1  }
0xb5: {  	[sflag:s29] =	ssyncadd.s32 $0xFFFFFFFF  }
0xb6: {  	_ =	strace $0x90000048  }
0xb7: {  	_ =	sfence  }
0xb8: {  	s30 =	sld [smem:$0x0];
	_ =	sdelay $0x2  }
0xb9: {  	s31 =	sshll.u32 s1, $0xD;
	s1 =	sshrl.u32 s1, $0x2  }
0xba: {  	s3 =	sand.u32 $0x4000, s31;
	s1 =	sadd.s32 s1, s30  }
0xbb: {  	s0 =	sor.u32 s3, s0;
	s1 =	sshll.u32 s1, $0x11  }
0xbc: {  	s0 =	sor.u32 s1, s0  }
0xbd: {  	s0 =	sadd.s32 $0x8F2B, s0  }
0xbe: {  	[sflag:s0] =	ssyncadd.remote.s32 $0x1  }
0xbf: {  	_ =	sfence.sel $0xFFFF  }
0xc0: {  	[dreg:$0x0] =	wrdreg $0xFFFFFFFF;
	(pc) =	sbr.abs _section_cstart, $3  }
0xc1: {  	[dreg:$0x1] =	wrdreg $0xFFFFFFFF  }
0xc2: {  	_ =	task.clear_ibuf [dreg:s7], $0x2FFFF;
	_ =	strace $0x9FFFFFFF  }
0xc3: {  	(tm) =	ssettm $0x7FFFFFFF  }
tec
execute0_lowered:
.L_overlay_start_1:
0x0: {  	(tag) =	ssettag $0x1  }
0x1: {  	s1 =	rddreg [dreg:$0x0]  }
0x2: {  	s2 =	rddreg [dreg:$0x1];
	s0 =	srdreg.scid  }
0x3: {  	s3 =	rddreg [dreg:$0x2];
	s4 =	stileid.u32  }
0x4: {  	s16 =	simm.s32 $0x40;
	s17 =	simm.s32 $0x2080;
	s18 =	simm.s32 $0x2000  }
0x5: {  	s14 =	sand.u32 $0x1, s0;
	s0 =	rddreg [dreg:$0x3];
	_ =	strace $0x80000047  }
0x6: {  	s5 =	ssub.s32 $0x2, s14;
	s15 =	sor.u32 s4, s14;
	p1 =	sne.s32 s14, $0x0  }
.Ltmp0:
0x7: {  	s14 =	simm.s32 $0x0;
	s6 =	sshrl.u32 s5, $0x1;
	(pc) =	sbr.rel .LBB2_1-.Ltmp0, $4  }
0x8: {  	p0 =	sne.s32 s15, $0x0;
	s13 =	ssub.s32 s5, s6;
	s5 =	sshll.u32 s4, $0x6  }
0x9: {  	s15 =	simm.s32 $0x1;
	s6 =	sor.u32 $0x400, s5;
	s7 =	sor.u32 $0x800, s5  }
0xa: {  	v0 =	vlaneseq.u32;
	v4 =	vimm.f32 $0.0e+00;
	s8 =	sor.u32 $0xC00, s5;
	s9 =	sor.u32 $0x1000, s5;
	s10 =	sor.u32 $0x1400, s5  }
0xb: {  	v1 =	vor.u32 $0x10, v0;
	v2 =	vor.u32 $0x20, v0;
	v3 =	vor.u32 $0x30, v0;
	s11 =	sor.u32 $0x1800, s5;
	s12 =	sor.u32 $0x1C00, s5;
	s13 =	smax.u32 s13, $0x1  }
.LBB2_3:
0xc: {  	[bflag:$0x0] =	sbarrier.arrive $0xFFFF  }
0xd: {  	[tilespmem:s20], [sflag:$0x1] =	stream.linear.gather @!p0 [spmem:s3], $0x80, $0x38;
	[tilespmem:$0x2188] =	vst v63  }
0xe: {  	_ =	swait.ge @!p0 [sflag:s19], $0x80  }
0xf: {  	[sflag:s19] =	ssyncset.done @!p0 $0x0  }
0x10: {  	[sflag:s19] =	ssyncadd.s32 @!p0 $0xFFFFFF80  }
0x11: {  	v5 =	vld @!p0 [tilespmem:$0x2000]  }
0x12: {  	v6 =	vld @!p0 [tilespmem:$0x2010]  }
0x13: {  	v7 =	vld @!p0 [tilespmem:$0x2020]  }
0x14: {  	v8 =	vld @!p0 [tilespmem:$0x2030];
	_ =	sdelay $0x1  }
0x15: {  	v5 =	vmul.f32 @!p0 $9.999999970e-07, v5  }
0x16: {  	v6 =	vmul.f32 @!p0 $9.999999970e-07, v6  }
0x17: {  	[tilespmem:$0x2100] =	vst @!p0 v5;
	v5 =	vmul.f32 @!p0 $9.999999970e-07, v7  }
0x18: {  	s13 =	sadd.s32 $0xFFFFFFFF, s13;
	[tilespmem:$0x2110] =	vst @!p0 v6;
	v6 =	vmul.f32 @!p0 $9.999999970e-07, v8  }
0x19: {  	p2 =	sne.s32 s13, $0x0;
	[tilespmem:$0x2120] =	vst @!p0 v5  }
.Ltmp1:
0x1a: {  	s21 =	simm.s32 @!p0 $0x2100;
	s20 =	simm.s32 @!p0 $0x0;
	[tilespmem:$0x2130] =	vst @!p0 v6;
	(pc) =	sbr.rel @!p2 .LBB2_4-.Ltmp1, $4  }
0x1b: {  	[hbm4b:s2+s20] =	stream.linear.scatter @!p0 [tilespmem:s21], [sflag:$0x1], $0x80, $0x38;
	[tilespmem:$0x2188] =	vst v63  }
0x1c: {  	_ =	swait.ge @!p0 [sflag:s19], $0x80  }
0x1d: {  	[sflag:s19] =	ssyncset.done @!p0 $0x0  }
0x1e: {  	[sflag:s19] =	ssyncadd.s32 @!p0 $0xFFFFFF80  }
.LBB2_1:
0x1f: {  	[tilespmem:$0x2080] =	vst v0  }
0x20: {  	[tilespmem:$0x2090] =	vst v1  }
0x21: {  	[tilespmem:$0x20A0] =	vst v2  }
0x22: {  	[tilespmem:$0x20B0] =	vst v3  }
0x23: {  	[tilespmem:$0x2000] =	vst v4  }
0x24: {  	[tilespmem:$0x2010] =	vst v4  }
0x25: {  	[tilespmem:$0x2020] =	vst v4  }
0x26: {  	[tilespmem:$0x2030] =	vst v4;
	s20 =	simm.s32 @!p0 $0x2000;
	s19 =	simm.s32 @!p0 $0x1  }
0x27: {  	[spmem:s3] =	stream.linear.scatter @!p0 [tilespmem:s20], [sflag:$0x1], $0x80, $0x38;
	[tilespmem:$0x2188] =	vst v63  }
.Ltmp2:
0x28: {  	_ =	swait.ge @!p0 [sflag:s19], $0x80;
	(pc) =	sbr.rel @p1 .LBB2_3-.Ltmp2, $3  }
0x29: {  	[sflag:s19] =	ssyncset.done @!p0 $0x0  }
0x2a: {  	[sflag:s19] =	ssyncadd.s32 @!p0 $0xFFFFFF80  }
0x2b: {  	[bflag:$0x0] =	sbarrier.arrive $0xFFFF;
	_ =	sdelay $0x1  }
0x2c: {  	[tilespmem:s14], [sflag:$0x1] =	stream.linear.gather [hbm4b:s1+s14], $0x1F40, $0x38;
	[tilespmem:$0x2188] =	vst v63  }
0x2d: {  	_ =	swait.ge [sflag:s15], $0x1F40  }
0x2e: {  	[sflag:s15] =	ssyncset.done $0x0  }
0x2f: {  	[sflag:s15] =	ssyncadd.s32 $0xFFFFE0C0  }
0x30: {  	[tilespmem:$0x1F40] =	vst v4  }
0x31: {  	[tilespmem:$0x1F50] =	vst v4  }
0x32: {  	[tilespmem:$0x1F60] =	vst v4  }
0x33: {  	[tilespmem:$0x1F70] =	vst v4  }
0x34: {  	[tilespmem:$0x1F80] =	vst v4  }
0x35: {  	[tilespmem:$0x1F90] =	vst v4  }
0x36: {  	[tilespmem:$0x1FA0] =	vst v4  }
0x37: {  	[tilespmem:$0x1FB0] =	vst v4  }
0x38: {  	[tilespmem:$0x1FC0] =	vst v4  }
0x39: {  	[tilespmem:$0x1FD0] =	vst v4  }
0x3a: {  	[tilespmem:$0x1FE0] =	vst v4;
	v5 =	vld [tilespmem:s5+$0x0]  }
0x3b: {  	[tilespmem:$0x1FF0] =	vst v4  }
0x3c: {  	v6 =	vld [tilespmem:s6+$0x0];
	_ =	sdelay $0x1  }
0x3d: {  	v7 =	vld [tilespmem:s7+$0x0]  }
0x3e: {  	v5 =	vadd.f32 $0.0e+00, v5  }
0x3f: {  	v8 =	vld [tilespmem:s8+$0x0]  }
0x40: {  	v5 =	vadd.f32 v6, v5  }
0x41: {  	v6 =	vld [tilespmem:s9+$0x0]  }
0x42: {  	v5 =	vadd.f32 v7, v5  }
0x43: {  	v7 =	vld [tilespmem:s10+$0x0]  }
0x44: {  	v5 =	vadd.f32 v8, v5  }
0x45: {  	v57 =	vld [tilespmem:s11+$0x0]  }
0x46: {  	v5 =	vadd.f32 v6, v5  }
0x47: {  	v6 =	vld [tilespmem:s12+$0x0]  }
0x48: {  	v5 =	vadd.f32 v7, v5;
	_ =	sdelay $0x1  }
0x49: {  	v5 =	vadd.f32 v57, v5;
	_ =	sdelay $0x1  }
0x4a: {  	v5 =	vadd.f32 v6, v5;
	_ =	sdelay $0x1  }
0x4b: {  	[tilespmem:$0x2000] =	vst v5  }
0x4c: {  	v5 =	vld [tilespmem:s5+$0x10];
	_ =	sdelay $0x1  }
0x4d: {  	v6 =	vld [tilespmem:s5+$0x410];
	_ =	sdelay $0x1  }
0x4e: {  	v7 =	vld [tilespmem:s5+$0x810]  }
0x4f: {  	v5 =	vadd.f32 $0.0e+00, v5  }
0x50: {  	v58 =	vld [tilespmem:s5+$0xC10]  }
0x51: {  	v5 =	vadd.f32 v6, v5  }
0x52: {  	v6 =	vld [tilespmem:s5+$0x1010]  }
0x53: {  	v5 =	vadd.f32 v7, v5  }
0x54: {  	v7 =	vld [tilespmem:s5+$0x1410]  }
0x55: {  	v5 =	vadd.f32 v58, v5  }
0x56: {  	v59 =	vld [tilespmem:s5+$0x1810]  }
0x57: {  	v5 =	vadd.f32 v6, v5  }
0x58: {  	v6 =	vld [tilespmem:s5+$0x1C10]  }
0x59: {  	v5 =	vadd.f32 v7, v5;
	_ =	sdelay $0x1  }
0x5a: {  	v5 =	vadd.f32 v59, v5;
	_ =	sdelay $0x1  }
0x5b: {  	v5 =	vadd.f32 v6, v5;
	_ =	sdelay $0x1  }
0x5c: {  	[tilespmem:$0x2010] =	vst v5  }
0x5d: {  	v5 =	vld [tilespmem:s5+$0x20];
	_ =	sdelay $0x1  }
0x5e: {  	v6 =	vld [tilespmem:s5+$0x420];
	_ =	sdelay $0x1  }
0x5f: {  	v7 =	vld [tilespmem:s5+$0x820]  }
0x60: {  	v5 =	vadd.f32 $0.0e+00, v5  }
0x61: {  	v60 =	vld [tilespmem:s5+$0xC20]  }
0x62: {  	v5 =	vadd.f32 v6, v5  }
0x63: {  	v6 =	vld [tilespmem:s5+$0x1020]  }
0x64: {  	v5 =	vadd.f32 v7, v5  }
0x65: {  	v7 =	vld [tilespmem:s5+$0x1420]  }
0x66: {  	v5 =	vadd.f32 v60, v5  }
0x67: {  	v61 =	vld [tilespmem:s5+$0x1820]  }
0x68: {  	v5 =	vadd.f32 v6, v5  }
0x69: {  	v6 =	vld [tilespmem:s5+$0x1C20]  }
0x6a: {  	v5 =	vadd.f32 v7, v5;
	_ =	sdelay $0x1  }
0x6b: {  	v5 =	vadd.f32 v61, v5;
	_ =	sdelay $0x1  }
0x6c: {  	v5 =	vadd.f32 v6, v5;
	_ =	sdelay $0x1  }
0x6d: {  	[tilespmem:$0x2020] =	vst v5  }
0x6e: {  	v5 =	vld [tilespmem:s5+$0x30];
	_ =	sdelay $0x1  }
0x6f: {  	v6 =	vld [tilespmem:s5+$0x430];
	_ =	sdelay $0x1  }
0x70: {  	v7 =	vld [tilespmem:s5+$0x830]  }
0x71: {  	v5 =	vadd.f32 $0.0e+00, v5  }
0x72: {  	v62 =	vld [tilespmem:s5+$0xC30]  }
0x73: {  	v5 =	vadd.f32 v6, v5  }
0x74: {  	v6 =	vld [tilespmem:s5+$0x1030]  }
0x75: {  	v5 =	vadd.f32 v7, v5  }
0x76: {  	v7 =	vld [tilespmem:s5+$0x1430]  }
0x77: {  	v5 =	vadd.f32 v62, v5  }
0x78: {  	v63 =	vld [tilespmem:s5+$0x1830]  }
0x79: {  	v5 =	vadd.f32 v6, v5  }
0x7a: {  	v6 =	vld [tilespmem:s5+$0x1C30]  }
0x7b: {  	v5 =	vadd.f32 v7, v5;
	_ =	sdelay $0x1  }
0x7c: {  	v5 =	vadd.f32 v63, v5;
	_ =	sdelay $0x1  }
0x7d: {  	v5 =	vadd.f32 v6, v5;
	_ =	sdelay $0x1  }
.Ltmp3:
0x7e: {  	[tilespmem:$0x2030] =	vst v5;
	(pc) =	sbr.rel .LBB2_3-.Ltmp3, $4  }
0x7f: {  	[spmem:s3] =	stream.indirect.scatter.add.f32 [tilespmem:s18], [sflag:$0x1], $0x1, s17, s16, $0xb8;
	[tilespmem:$0x2188] =	vst v63  }
0x80: {  	_ =	swait.ge [sflag:s15], $0x40  }
0x81: {  	[sflag:s15] =	ssyncset.done $0x0  }
0x82: {  	[sflag:s15] =	ssyncadd.s32 $0xFFFFFFC0  }
.LBB2_4:
0x83: {  	_ =	sfence.sel $0x180000  }
0x84: {  	[bflag:$0x0] =	sbarrier.arrive $0xFFFF  }
0x85: {  	p0 =	sne.s32 s4, $0x0;
	_ =	strace $0x90000047  }
0x86: {  	s0 =	sadd.s32 @!p0 $0x100000, s0;
	[bflag:$0x2] =	sbarrier.arrive $0xFFFF  }
0x87: {  	[sflag:s0] =	ssyncadd.tile.s32 @!p0 $0x1;
	_ =	shalt  }
.Lfunc_end2:
_tile_overlayer_lowered:
.L_overlay_start_2:
0x88: {  	(tag) =	ssettag $0x2  }
0x89: {  	s0 =	rddreg [dreg:$0x0];
	s2 =	stileid.u32  }
0x8a: {  	s1 =	rddreg [dreg:$0x1];
	p0 =	sne.s32 s2, $0x0  }
0x8b: {  	s3 =	rddreg [dreg:$0x2];
	[bflag:$0x3] =	sbarrier.arrive $0xFFFF;
	s2 =	simm.s32 @!p0 $0x1C01  }
0x8c: {  	[timem:s3], [sflag:s2] =	dma.local @!p0 [hbm:s0], s1  }
0x8d: {  	s0 =	simm.s32 @!p0 $0x1  }
0x8e: {  	_ =	swait.ge @!p0 [sflag:s0], s1  }
0x8f: {  	s1 =	ssub.s32 @!p0 $0x0, s1;
	[sflag:s0] =	ssyncset.done @!p0 $0x0  }
0x90: {  	[sflag:s0] =	ssyncadd.s32 @!p0 s1  }
0x91: {  	[bflag:$0x3] =	sbarrier.arrive $0xFFFF  }
0x92: {  	_ =	shalt  }

</sc_bundles>
